<compile_context>
chip_gen: v7x
topology: tpu7x:2x2x1
jax: 0.10.2.dev20260603
libtpu: 0.0.44.dev20260713+nightly
codegen_flags: <defaults>
</compile_context>

<pallas_src>
import functools

import jax
import jax.numpy as jnp
from jax import lax
from jax.experimental import pallas as pl
from jax.experimental.pallas import tpu as pltpu
from jax.experimental.pallas import tpu_sc as plsc

NUM_CORES = 2
NUM_SUBCORES = 16
CHUNK = 128


def _sc_segment_sums(n_acc, n_chunks, n_real_chunks, d_half, d_edge, xcat,
                     src3, dst3, ef2, ones_rows, zer_x, zer_e):
    stripe = n_acc // NUM_SUBCORES
    npairs = n_chunks // 2
    mesh = plsc.VectorSubcoreMesh(core_axis_name="c", subcore_axis_name="s")

    @functools.partial(
        pl.kernel,
        out_type=[
            jax.ShapeDtypeStruct((NUM_CORES, n_acc, d_half), jnp.float32),
            jax.ShapeDtypeStruct((NUM_CORES, n_acc, 16), jnp.float32),
        ],
        mesh=mesh,
        compiler_params=pltpu.CompilerParams(use_tc_tiling_on_sc=False),
        scratch_types=[
            pltpu.VMEM((n_chunks, CHUNK), jnp.int32),
            pltpu.VMEM((n_chunks, CHUNK), jnp.int32),
            pltpu.VMEM((CHUNK, d_half), jnp.float32),
            pltpu.VMEM((CHUNK, d_half), jnp.float32),
            pltpu.VMEM((CHUNK, d_edge), jnp.float32),
            pltpu.VMEM((CHUNK, d_edge), jnp.float32),
            pltpu.VMEM((CHUNK, 16), jnp.float32),
            pltpu.VMEM_SHARED((n_acc, d_half), jnp.float32),
            pltpu.VMEM_SHARED((n_acc, 16), jnp.float32),
            pltpu.SemaphoreType.DMA,
            pltpu.SemaphoreType.DMA,
            pltpu.SemaphoreType.DMA,
            pltpu.SemaphoreType.DMA,
            pltpu.SemaphoreType.DMA,
            pltpu.SemaphoreType.DMA,
            pltpu.SemaphoreType.DMA,
            pltpu.SemaphoreType.DMA,
        ],
    )
    def sc_kernel(x_hbm, src_hbm, dst_hbm, ef_hbm, ones_hbm, zx_hbm, ze_hbm,
                  outx_hbm, outa_hbm,
                  src_v, dst_v, xb0, xb1, eb0, eb1, onesbuf, acc_x, acc_a,
                  gx0, gx1, sx0, sx1, el0, el1, ea0, ea1):
        c = lax.axis_index("c")
        s = lax.axis_index("s")
        base = s * stripe

        pltpu.sync_copy(zx_hbm, acc_x.at[pl.ds(base, stripe)])
        pltpu.sync_copy(ze_hbm, acc_a.at[pl.ds(base, stripe)])
        pltpu.sync_copy(ones_hbm, onesbuf)
        pltpu.sync_copy(src_hbm.at[c, pl.ds(s * n_chunks, n_chunks)], src_v)
        pltpu.sync_copy(dst_hbm.at[pl.ds(s * n_chunks, n_chunks)], dst_v)
        plsc.subcore_barrier()

        def ef_rows(j):
            g = jnp.minimum(s * n_chunks + j, n_real_chunks - 1)
            return ef_hbm.at[pl.ds(g * CHUNK, CHUNK)]

        def gather_x(j, buf, sem):
            pltpu.async_copy(x_hbm.at[src_v.at[j]], buf, sem)

        def wait_gather_x(j, buf, sem):
            pltpu.make_async_copy(x_hbm.at[src_v.at[j]], buf, sem).wait()

        def scat_x(j, buf, sem):
            pltpu.async_copy(buf, acc_x.at[dst_v.at[j]], sem, add=True)

        def wait_scat_x(j, buf, sem):
            pltpu.make_async_copy(buf, acc_x.at[dst_v.at[j]], sem).wait()

        def load_ef(j, buf, sem):
            pltpu.async_copy(ef_rows(j), buf, sem)

        def wait_load_ef(j, buf, sem):
            pltpu.make_async_copy(ef_rows(j), buf, sem).wait()

        def scat_aux(j, buf, sem):
            pltpu.async_copy(buf, acc_a.at[dst_v.at[j]], sem, add=True)

        def wait_scat_aux(j, buf, sem):
            pltpu.make_async_copy(buf, acc_a.at[dst_v.at[j]], sem).wait()

        gather_x(0, xb0, gx0)

        @pl.when(c == 0)
        def _():
            load_ef(0, eb0, el0)

        def body(p, carry):
            a = 2 * p
            bch = a + 1

            wait_gather_x(a, xb0, gx0)
            scat_x(a, xb0, sx0)

            @pl.when(c == 0)
            def _():
                wait_load_ef(a, eb0, el0)
                scat_aux(a, eb0, ea0)

            @pl.when(c != 0)
            def _():
                @pl.when(p > 0)
                def _():
                    wait_scat_aux(a, onesbuf, ea0)

                scat_aux(a, onesbuf, ea0)

            @pl.when(p > 0)
            def _():
                wait_scat_x(bch, xb1, sx1)

            gather_x(bch, xb1, gx1)

            @pl.when(c == 0)
            def _():
                @pl.when(p > 0)
                def _():
                    wait_scat_aux(bch, eb1, ea1)

                load_ef(bch, eb1, el1)

            wait_gather_x(bch, xb1, gx1)
            scat_x(bch, xb1, sx1)

            @pl.when(c == 0)
            def _():
                wait_load_ef(bch, eb1, el1)
                scat_aux(bch, eb1, ea1)

            @pl.when(c != 0)
            def _():
                @pl.when(p > 0)
                def _():
                    wait_scat_aux(bch, onesbuf, ea1)

                scat_aux(bch, onesbuf, ea1)

            @pl.when(p < npairs - 1)
            def _():
                wait_scat_x(a, xb0, sx0)
                gather_x(a + 2, xb0, gx0)

                @pl.when(c == 0)
                def _():
                    wait_scat_aux(a, eb0, ea0)
                    load_ef(a + 2, eb0, el0)

            return carry

        lax.fori_loop(0, npairs, body, 0)

        wait_scat_x(n_chunks - 2, xb0, sx0)
        wait_scat_x(n_chunks - 1, xb1, sx1)

        @pl.when(c == 0)
        def _():
            wait_scat_aux(n_chunks - 2, eb0, ea0)
            wait_scat_aux(n_chunks - 1, eb1, ea1)

        @pl.when(c != 0)
        def _():
            wait_scat_aux(n_chunks - 2, onesbuf, ea0)
            wait_scat_aux(n_chunks - 1, onesbuf, ea1)

        plsc.subcore_barrier()

        pltpu.sync_copy(acc_x.at[pl.ds(base, stripe)],
                        outx_hbm.at[c, pl.ds(base, stripe)])
        pltpu.sync_copy(acc_a.at[pl.ds(base, stripe)],
                        outa_hbm.at[c, pl.ds(base, stripe)])

    return sc_kernel(xcat, src3, dst3, ef2, ones_rows, zer_x, zer_e)


def _tc_body(d_half, px_ref, pa_ref, wt_ref, b_ref, out_ref):
    se = pa_ref[0]
    cnt = pa_ref[1][:, 0:1]
    acc = jnp.dot(px_ref[0], wt_ref[:d_half],
                  preferred_element_type=jnp.float32,
                  precision=lax.Precision.HIGHEST)
    acc = acc + jnp.dot(px_ref[1], wt_ref[d_half:2 * d_half],
                        preferred_element_type=jnp.float32,
                        precision=lax.Precision.HIGHEST)
    acc = acc + jnp.dot(se, wt_ref[2 * d_half:],
                        preferred_element_type=jnp.float32,
                        precision=lax.Precision.HIGHEST)
    acc = acc + cnt * b_ref[...]
    out_ref[...] = acc / jnp.maximum(cnt, 1.0)


def kernel(x, edge_index, edge_features, W, b):
    n_nodes, d_feat = x.shape
    n_edges = edge_index.shape[1]
    d_edge = edge_features.shape[1]
    out_dim = W.shape[0]
    d_half = d_feat // 2

    if n_edges % CHUNK:
        pad_e = CHUNK - n_edges % CHUNK
        edge_features = jnp.concatenate(
            [edge_features, jnp.zeros((pad_e, d_edge), edge_features.dtype)])
        edge_index = jnp.concatenate(
            [edge_index, jnp.zeros((2, pad_e), edge_index.dtype)], axis=1)
        n_edges += pad_e
    n_real_chunks = n_edges // CHUNK
    n_chunks_tot = -(-n_real_chunks // (2 * NUM_SUBCORES)) * 2 * NUM_SUBCORES
    n_chunks = n_chunks_tot // NUM_SUBCORES
    pad = n_chunks_tot * CHUNK - n_edges
    n_acc = -(-(n_nodes + 1) // 1280) * 1280
    stripe = n_acc // NUM_SUBCORES

    src = edge_index[0].astype(jnp.int32)
    dst = edge_index[1].astype(jnp.int32)
    src_p = jnp.concatenate([src, jnp.zeros((pad,), jnp.int32)])
    src3 = jnp.stack([src_p, src_p + n_nodes]).reshape(
        NUM_CORES, n_chunks_tot, CHUNK)
    dst3 = jnp.concatenate(
        [dst, jnp.full((pad,), n_nodes, jnp.int32)]).reshape(
        n_chunks_tot, CHUNK)
    xf = x.astype(jnp.float32)
    xcat = jnp.concatenate([xf[:, :d_half], xf[:, d_half:]], axis=0)
    ones_rows = jnp.zeros((CHUNK, 16), jnp.float32).at[:, 0].set(1.0)
    zer_x = jnp.zeros((stripe, d_half), jnp.float32)
    zer_e = jnp.zeros((stripe, 16), jnp.float32)

    px, pa = _sc_segment_sums(n_acc, n_chunks, n_real_chunks, d_half, d_edge,
                              xcat, src3, dst3,
                              edge_features.astype(jnp.float32),
                              ones_rows, zer_x, zer_e)

    wt = W.T.astype(jnp.float32)
    b2 = b.astype(jnp.float32).reshape(1, out_dim)

    blk = 1024
    grid = n_acc // blk
    out_full = pl.pallas_call(
        functools.partial(_tc_body, d_half),
        grid=(grid,),
        in_specs=[
            pl.BlockSpec((NUM_CORES, blk, d_half), lambda i: (0, i, 0)),
            pl.BlockSpec((NUM_CORES, blk, 16), lambda i: (0, i, 0)),
            pl.BlockSpec((d_feat + d_edge, out_dim), lambda i: (0, 0)),
            pl.BlockSpec((1, out_dim), lambda i: (0, 0)),
        ],
        out_specs=pl.BlockSpec((blk, out_dim), lambda i: (i, 0)),
        out_shape=jax.ShapeDtypeStruct((n_acc, out_dim), jnp.float32),
    )(px, pa, wt, b2)

    return out_full[:n_nodes]

# --- scband reference (transcript-rebuilt; emitter-appended) ---
"""Pipeline reference for scband-tegconv-24575802868350 (READ-ONLY COPY).

The authoritative reference and input builder live on the scoring server;
editing this copy changes nothing except your own understanding.
"""

import jax, jax.numpy as jnp
import numpy as np

N_NODES = 10000
N_EDGES = 320000
D_FEAT = 128
D_EDGE = 16
IN_DIM = D_FEAT + D_EDGE
OUT_DIM = 128


def setup_inputs(seed: int = 0) -> dict:
    key = jax.random.key(seed)
    k1, k2, k3, k4, k5 = jax.random.split(key, 5)
    x = jax.random.normal(k1, (N_NODES, D_FEAT), dtype=jnp.float32)
    edge_index = jax.random.randint(k2, (2, N_EDGES), 0, N_NODES, dtype=jnp.int64)
    edge_features = jax.random.normal(k3, (N_EDGES, D_EDGE), dtype=jnp.float32)
    # Linear layer params (torch.nn.Linear(IN_DIM, OUT_DIM)): y = x @ W.T + b
    bound = 1.0 / np.sqrt(IN_DIM)
    W = jax.random.uniform(k4, (OUT_DIM, IN_DIM), dtype=jnp.float32, minval=-bound, maxval=bound)
    b = jax.random.uniform(k5, (OUT_DIM,), dtype=jnp.float32, minval=-bound, maxval=bound)
    return {"x": x, "edge_index": edge_index, "edge_features": edge_features, "W": W, "b": b}


def reference(x, edge_index, edge_features, W, b):
    source_ids = edge_index[0, :]
    dst_ids = edge_index[1, :]
    # gather source node features
    xs = jnp.take(x, source_ids, axis=0)
    # concat with edge features
    x2 = jnp.concatenate([xs, edge_features], axis=1)
    # edge MLP (Linear)
    x2 = x2 @ W.T + b
    # scatter_mean over destination nodes
    sums = jax.ops.segment_sum(x2, dst_ids, num_segments=N_NODES)
    cnt = jax.ops.segment_sum(jnp.ones((x2.shape[0],), dtype=x2.dtype), dst_ids, num_segments=N_NODES)
    cnt = jnp.clip(cnt, 1.0, None)
    out = sums / cnt[:, None]
    return out

if __name__ == "__main__":
    import jax
    _d = setup_inputs()
    print(jax.jit(kernel)(*tuple(_d.values())))

</pallas_src>

<mosaic_0001>
#map = affine_map<(d0, d1) -> (0, 0)>
#map1 = affine_map<(d0, d1) -> (0, 0, 0)>
module attributes {stable_mosaic.version = 14 : i64} {
  func.func @sc_kernel(%arg0: i32, %arg1: i32, %arg2: memref<20000x64xf32, #tpu.memory_space<hbm>>, %arg3: memref<2x2528x128xi32, #tpu.memory_space<hbm>>, %arg4: memref<2528x128xi32, #tpu.memory_space<hbm>>, %arg5: memref<320000x16xf32, #tpu.memory_space<hbm>>, %arg6: memref<128x16xf32, #tpu.memory_space<hbm>>, %arg7: memref<640x64xf32, #tpu.memory_space<hbm>>, %arg8: memref<640x16xf32, #tpu.memory_space<hbm>>, %arg9: memref<2x10240x64xf32, #tpu.memory_space<hbm>>, %arg10: memref<2x10240x16xf32, #tpu.memory_space<hbm>>, %arg11: memref<158x128xi32, #tpu.memory_space<vmem>>, %arg12: memref<158x128xi32, #tpu.memory_space<vmem>>, %arg13: memref<128x64xf32, #tpu.memory_space<vmem>>, %arg14: memref<128x64xf32, #tpu.memory_space<vmem>>, %arg15: memref<128x16xf32, #tpu.memory_space<vmem>>, %arg16: memref<128x16xf32, #tpu.memory_space<vmem>>, %arg17: memref<128x16xf32, #tpu.memory_space<vmem>>, %arg18: memref<10240x64xf32, #tpu.memory_space<vmem_shared>>, %arg19: memref<10240x16xf32, #tpu.memory_space<vmem_shared>>, %arg20: memref<!tpu.dma_semaphore, #tpu.memory_space<semaphore_mem>>, %arg21: memref<!tpu.dma_semaphore, #tpu.memory_space<semaphore_mem>>, %arg22: memref<!tpu.dma_semaphore, #tpu.memory_space<semaphore_mem>>, %arg23: memref<!tpu.dma_semaphore, #tpu.memory_space<semaphore_mem>>, %arg24: memref<!tpu.dma_semaphore, #tpu.memory_space<semaphore_mem>>, %arg25: memref<!tpu.dma_semaphore, #tpu.memory_space<semaphore_mem>>, %arg26: memref<!tpu.dma_semaphore, #tpu.memory_space<semaphore_mem>>, %arg27: memref<!tpu.dma_semaphore, #tpu.memory_space<semaphore_mem>>) attributes {dimension_semantics = [#tpu.dimension_semantics<core_parallel>, #tpu.dimension_semantics<subcore_parallel>], iteration_bounds = array<i64: 2, 16>, scalar_prefetch = 0 : i64, scratch_operands = 17 : i64, tpu.core_type = #tpu.core_type<sc_vector_subcore>, window_params = [{transform_indices = #map}, {transform_indices = #map1}, {transform_indices = #map}, {transform_indices = #map}, {transform_indices = #map}, {transform_indices = #map}, {transform_indices = #map}, {transform_indices = #map1}, {transform_indices = #map1}]} {
    %mul3A = arith.constant 640 : i32
    %mul3A_0 = arith.muli %arg1, %mul3A : i32
    "tpu.region"() ({
      %run_scoped3A = tpu.sem_alloc : memref<!tpu.dma_semaphore, #tpu.memory_space<semaphore_mem>>
      %dma_start3A_41 = arith.constant 0 : i32
      %dma_start3A_42 = tpu.memref_slice %arg18[%mul3A_0, %dma_start3A_41] : memref<10240x64xf32, #tpu.memory_space<vmem_shared>> -> memref<640x64xf32, #tpu.memory_space<vmem_shared>>
      tpu.enqueue_dma source(%arg7 : memref<640x64xf32, #tpu.memory_space<hbm>>) target(%dma_start3A_42 : memref<640x64xf32, #tpu.memory_space<vmem_shared>>) target_semaphore(%run_scoped3A : memref<!tpu.dma_semaphore, #tpu.memory_space<semaphore_mem>>)
      %dma_wait3A_43 = arith.constant 0 : i32
      %dma_wait3A_44 = tpu.memref_slice %arg18[%mul3A_0, %dma_wait3A_43] : memref<10240x64xf32, #tpu.memory_space<vmem_shared>> -> memref<640x64xf32, #tpu.memory_space<vmem_shared>>
      tpu.wait_dma2 semaphore(%run_scoped3A : memref<!tpu.dma_semaphore, #tpu.memory_space<semaphore_mem>>) src(%arg7 : memref<640x64xf32, #tpu.memory_space<hbm>>) dst(%dma_wait3A_44 : memref<640x64xf32, #tpu.memory_space<vmem_shared>>)
      tpu.yield
    }) : () -> ()
    "tpu.region"() ({
      %run_scoped3A = tpu.sem_alloc : memref<!tpu.dma_semaphore, #tpu.memory_space<semaphore_mem>>
      %dma_start3A_41 = arith.constant 0 : i32
      %dma_start3A_42 = tpu.memref_slice %arg19[%mul3A_0, %dma_start3A_41] : memref<10240x16xf32, #tpu.memory_space<vmem_shared>> -> memref<640x16xf32, #tpu.memory_space<vmem_shared>>
      tpu.enqueue_dma source(%arg8 : memref<640x16xf32, #tpu.memory_space<hbm>>) target(%dma_start3A_42 : memref<640x16xf32, #tpu.memory_space<vmem_shared>>) target_semaphore(%run_scoped3A : memref<!tpu.dma_semaphore, #tpu.memory_space<semaphore_mem>>)
      %dma_wait3A_43 = arith.constant 0 : i32
      %dma_wait3A_44 = tpu.memref_slice %arg19[%mul3A_0, %dma_wait3A_43] : memref<10240x16xf32, #tpu.memory_space<vmem_shared>> -> memref<640x16xf32, #tpu.memory_space<vmem_shared>>
      tpu.wait_dma2 semaphore(%run_scoped3A : memref<!tpu.dma_semaphore, #tpu.memory_space<semaphore_mem>>) src(%arg8 : memref<640x16xf32, #tpu.memory_space<hbm>>) dst(%dma_wait3A_44 : memref<640x16xf32, #tpu.memory_space<vmem_shared>>)
      tpu.yield
    }) : () -> ()
    "tpu.region"() ({
      %run_scoped3A = tpu.sem_alloc : memref<!tpu.dma_semaphore, #tpu.memory_space<semaphore_mem>>
      tpu.enqueue_dma source(%arg6 : memref<128x16xf32, #tpu.memory_space<hbm>>) target(%arg17 : memref<128x16xf32, #tpu.memory_space<vmem>>) target_semaphore(%run_scoped3A : memref<!tpu.dma_semaphore, #tpu.memory_space<semaphore_mem>>)
      tpu.wait_dma2 semaphore(%run_scoped3A : memref<!tpu.dma_semaphore, #tpu.memory_space<semaphore_mem>>) src(%arg6 : memref<128x16xf32, #tpu.memory_space<hbm>>) dst(%arg17 : memref<128x16xf32, #tpu.memory_space<vmem>>)
      tpu.yield
    }) : () -> ()
    %mul3A_1 = arith.constant 158 : i32
    %mul3A_2 = arith.muli %arg1, %mul3A_1 : i32
    "tpu.region"() ({
      %run_scoped3A = tpu.sem_alloc : memref<!tpu.dma_semaphore, #tpu.memory_space<semaphore_mem>>
      %dma_start3A_41 = arith.constant 0 : i32
      %dma_start3A_42 = tpu.memref_slice %arg3[%arg0, %mul3A_2, %dma_start3A_41] : memref<2x2528x128xi32, #tpu.memory_space<hbm>> -> memref<1x158x128xi32, #tpu.memory_space<hbm>>
      %dma_start3A_43 = tpu.memref_squeeze %dma_start3A_42 : memref<1x158x128xi32, #tpu.memory_space<hbm>> -> memref<158x128xi32, #tpu.memory_space<hbm>>
      %dma_start3A_44 = arith.constant 0 : i32
      %dma_start3A_45 = tpu.memref_slice %arg3[%arg0, %mul3A_2, %dma_start3A_44] : memref<2x2528x128xi32, #tpu.memory_space<hbm>> -> memref<1x158x128xi32, #tpu.memory_space<hbm>>
      %dma_start3A_46 = tpu.memref_squeeze %dma_start3A_45 : memref<1x158x128xi32, #tpu.memory_space<hbm>> -> memref<158x128xi32, #tpu.memory_space<hbm>>
      tpu.enqueue_dma source(%dma_start3A_46 : memref<158x128xi32, #tpu.memory_space<hbm>>) target(%arg11 : memref<158x128xi32, #tpu.memory_space<vmem>>) target_semaphore(%run_scoped3A : memref<!tpu.dma_semaphore, #tpu.memory_space<semaphore_mem>>)
      %dma_wait3A_47 = arith.constant 0 : i32
      %dma_wait3A_48 = tpu.memref_slice %arg3[%arg0, %mul3A_2, %dma_wait3A_47] : memref<2x2528x128xi32, #tpu.memory_space<hbm>> -> memref<1x158x128xi32, #tpu.memory_space<hbm>>
      %dma_wait3A_49 = tpu.memref_squeeze %dma_wait3A_48 : memref<1x158x128xi32, #tpu.memory_space<hbm>> -> memref<158x128xi32, #tpu.memory_space<hbm>>
      %dma_wait3A_50 = arith.constant 0 : i32
      %dma_wait3A_51 = tpu.memref_slice %arg3[%arg0, %mul3A_2, %dma_wait3A_50] : memref<2x2528x128xi32, #tpu.memory_space<hbm>> -> memref<1x158x128xi32, #tpu.memory_space<hbm>>
      %dma_wait3A_52 = tpu.memref_squeeze %dma_wait3A_51 : memref<1x158x128xi32, #tpu.memory_space<hbm>> -> memref<158x128xi32, #tpu.memory_space<hbm>>
      tpu.wait_dma2 semaphore(%run_scoped3A : memref<!tpu.dma_semaphore, #tpu.memory_space<semaphore_mem>>) src(%dma_wait3A_52 : memref<158x128xi32, #tpu.memory_space<hbm>>) dst(%arg11 : memref<158x128xi32, #tpu.memory_space<vmem>>)
      tpu.yield
    }) : () -> ()
    %mul3A_3 = arith.constant 158 : i32
    %mul3A_4 = arith.muli %arg1, %mul3A_3 : i32
    "tpu.region"() ({
      %run_scoped3A = tpu.sem_alloc : memref<!tpu.dma_semaphore, #tpu.memory_space<semaphore_mem>>
      %dma_start3A_41 = arith.constant 0 : i32
      %dma_start3A_42 = tpu.memref_slice %arg4[%mul3A_4, %dma_start3A_41] : memref<2528x128xi32, #tpu.memory_space<hbm>> -> memref<158x128xi32, #tpu.memory_space<hbm>>
      %dma_start3A_43 = arith.constant 0 : i32
      %dma_start3A_44 = tpu.memref_slice %arg4[%mul3A_4, %dma_start3A_43] : memref<2528x128xi32, #tpu.memory_space<hbm>> -> memref<158x128xi32, #tpu.memory_space<hbm>>
      tpu.enqueue_dma source(%dma_start3A_44 : memref<158x128xi32, #tpu.memory_space<hbm>>) target(%arg12 : memref<158x128xi32, #tpu.memory_space<vmem>>) target_semaphore(%run_scoped3A : memref<!tpu.dma_semaphore, #tpu.memory_space<semaphore_mem>>)
      %dma_wait3A_45 = arith.constant 0 : i32
      %dma_wait3A_46 = tpu.memref_slice %arg4[%mul3A_4, %dma_wait3A_45] : memref<2528x128xi32, #tpu.memory_space<hbm>> -> memref<158x128xi32, #tpu.memory_space<hbm>>
      %dma_wait3A_47 = arith.constant 0 : i32
      %dma_wait3A_48 = tpu.memref_slice %arg4[%mul3A_4, %dma_wait3A_47] : memref<2528x128xi32, #tpu.memory_space<hbm>> -> memref<158x128xi32, #tpu.memory_space<hbm>>
      tpu.wait_dma2 semaphore(%run_scoped3A : memref<!tpu.dma_semaphore, #tpu.memory_space<semaphore_mem>>) src(%dma_wait3A_48 : memref<158x128xi32, #tpu.memory_space<hbm>>) dst(%arg12 : memref<158x128xi32, #tpu.memory_space<vmem>>)
      tpu.yield
    }) : () -> ()
    %barrier3A = arith.constant 0 : index
    tpu.barrier barrier_id(%barrier3A)
    %dma_start3A = arith.constant 0 : i32
    %dma_start3A_5 = arith.constant 0 : i32
    %dma_start3A_6 = tpu.memref_slice %arg11[%dma_start3A, %dma_start3A_5] : memref<158x128xi32, #tpu.memory_space<vmem>> -> memref<1x128xi32, #tpu.memory_space<vmem>>
    %dma_start3A_7 = tpu.memref_squeeze %dma_start3A_6 : memref<1x128xi32, #tpu.memory_space<vmem>> -> memref<128xi32, #tpu.memory_space<vmem>>
    %dma_start3A_8 = arith.constant 0 : i32
    %dma_start3A_9 = arith.constant 0 : i32
    %dma_start3A_10 = tpu.memref_slice %arg2[%dma_start3A_8, %dma_start3A_9] : memref<20000x64xf32, #tpu.memory_space<hbm>> -> memref<20000x64xf32, #tpu.memory_space<hbm>>
    tpu.enqueue_indirect_dma source(%dma_start3A_10 : memref<20000x64xf32, #tpu.memory_space<hbm>>) target(%arg13 : memref<128x64xf32, #tpu.memory_space<vmem>>) offsets(%dma_start3A_7 : memref<128xi32, #tpu.memory_space<vmem>>) semaphore(%arg20 : memref<!tpu.dma_semaphore, #tpu.memory_space<semaphore_mem>>)
    %eq3A = arith.constant 0 : i32
    %eq3A_11 = arith.cmpi eq, %arg0, %eq3A : i32
    %convert_element_type3A = arith.extui %eq3A_11 : i1 to i32
    %cond3A = arith.constant 0 : i32
    %cond3A_12 = arith.cmpi ne, %convert_element_type3A, %cond3A : i32
    scf.if %cond3A_12 {
      %mul3A_41 = arith.constant 158 : i32
      %mul3A_42 = arith.muli %arg1, %mul3A_41 : i32
      %add3A = arith.constant 0 : i32
      %add3A_43 = arith.addi %mul3A_42, %add3A : i32
      %min3A = arith.constant 2499 : i32
      %min3A_44 = arith.minsi %add3A_43, %min3A : i32
      %mul3A_45 = arith.constant 128 : i32
      %mul3A_46 = arith.muli %min3A_44, %mul3A_45 : i32
      %dma_start3A_47 = arith.constant 0 : i32
      %dma_start3A_48 = tpu.memref_slice %arg5[%mul3A_46, %dma_start3A_47] : memref<320000x16xf32, #tpu.memory_space<hbm>> -> memref<128x16xf32, #tpu.memory_space<hbm>>
      %dma_start3A_49 = arith.constant 0 : i32
      %dma_start3A_50 = tpu.memref_slice %arg5[%mul3A_46, %dma_start3A_49] : memref<320000x16xf32, #tpu.memory_space<hbm>> -> memref<128x16xf32, #tpu.memory_space<hbm>>
      tpu.enqueue_dma source(%dma_start3A_50 : memref<128x16xf32, #tpu.memory_space<hbm>>) target(%arg15 : memref<128x16xf32, #tpu.memory_space<vmem>>) target_semaphore(%arg24 : memref<!tpu.dma_semaphore, #tpu.memory_space<semaphore_mem>>)
    } else {
    }
    %scan3A = arith.constant 0 : i32
    %scan3A_13 = arith.constant 0 : i32
    %scan3A_14 = arith.constant 79 : i32
    %scan3A_15 = arith.addi %scan3A_13, %scan3A_14 : i32
    %scan3A_16 = arith.constant 1 : i32
    scf.for %scan3A_41 = %scan3A_13 to %scan3A_15 step %scan3A_16  : i32 {
      %mul3A_42 = arith.constant 2 : i32
      %mul3A_43 = arith.muli %mul3A_42, %scan3A_41 : i32
      %add3A = arith.constant 1 : i32
      %add3A_44 = arith.addi %mul3A_43, %add3A : i32
      %dma_wait3A_45 = arith.constant 0 : i32
      %dma_wait3A_46 = tpu.memref_slice %arg11[%mul3A_43, %dma_wait3A_45] : memref<158x128xi32, #tpu.memory_space<vmem>> -> memref<1x128xi32, #tpu.memory_space<vmem>>
      %dma_wait3A_47 = tpu.memref_squeeze %dma_wait3A_46 : memref<1x128xi32, #tpu.memory_space<vmem>> -> memref<128xi32, #tpu.memory_space<vmem>>
      %dma_wait3A_48 = arith.constant 0 : i32
      %dma_wait3A_49 = arith.constant 0 : i32
      %dma_wait3A_50 = tpu.memref_slice %arg2[%dma_wait3A_48, %dma_wait3A_49] : memref<20000x64xf32, #tpu.memory_space<hbm>> -> memref<20000x64xf32, #tpu.memory_space<hbm>>
      tpu.wait_indirect_dma semaphore(%arg20 : memref<!tpu.dma_semaphore, #tpu.memory_space<semaphore_mem>>) src(%dma_wait3A_50 : memref<20000x64xf32, #tpu.memory_space<hbm>>) dst(%arg13 : memref<128x64xf32, #tpu.memory_space<vmem>>)
      %dma_start3A_51 = arith.constant 0 : i32
      %dma_start3A_52 = tpu.memref_slice %arg12[%mul3A_43, %dma_start3A_51] : memref<158x128xi32, #tpu.memory_space<vmem>> -> memref<1x128xi32, #tpu.memory_space<vmem>>
      %dma_start3A_53 = tpu.memref_squeeze %dma_start3A_52 : memref<1x128xi32, #tpu.memory_space<vmem>> -> memref<128xi32, #tpu.memory_space<vmem>>
      %dma_start3A_54 = arith.constant 0 : i32
      %dma_start3A_55 = arith.constant 0 : i32
      %dma_start3A_56 = tpu.memref_slice %arg18[%dma_start3A_54, %dma_start3A_55] : memref<10240x64xf32, #tpu.memory_space<vmem_shared>> -> memref<10240x64xf32, #tpu.memory_space<vmem_shared>>
      tpu.enqueue_indirect_dma source(%arg13 : memref<128x64xf32, #tpu.memory_space<vmem>>) target(%dma_start3A_56 : memref<10240x64xf32, #tpu.memory_space<vmem_shared>>) offsets(%dma_start3A_53 : memref<128xi32, #tpu.memory_space<vmem>>) semaphore(%arg22 : memref<!tpu.dma_semaphore, #tpu.memory_space<semaphore_mem>>) {add = true}
      %eq3A_57 = arith.constant 0 : i32
      %eq3A_58 = arith.cmpi eq, %arg0, %eq3A_57 : i32
      %convert_element_type3A_59 = arith.extui %eq3A_58 : i1 to i32
      %cond3A_60 = arith.constant 0 : i32
      %cond3A_61 = arith.cmpi ne, %convert_element_type3A_59, %cond3A_60 : i32
      scf.if %cond3A_61 {
        %mul3A_108 = arith.constant 158 : i32
        %mul3A_109 = arith.muli %arg1, %mul3A_108 : i32
        %add3A_110 = arith.addi %mul3A_109, %mul3A_43 : i32
        %min3A = arith.constant 2499 : i32
        %min3A_111 = arith.minsi %add3A_110, %min3A : i32
        %mul3A_112 = arith.constant 128 : i32
        %mul3A_113 = arith.muli %min3A_111, %mul3A_112 : i32
        %dma_wait3A_114 = arith.constant 0 : i32
        %dma_wait3A_115 = tpu.memref_slice %arg5[%mul3A_113, %dma_wait3A_114] : memref<320000x16xf32, #tpu.memory_space<hbm>> -> memref<128x16xf32, #tpu.memory_space<hbm>>
        %dma_wait3A_116 = arith.constant 0 : i32
        %dma_wait3A_117 = tpu.memref_slice %arg5[%mul3A_113, %dma_wait3A_116] : memref<320000x16xf32, #tpu.memory_space<hbm>> -> memref<128x16xf32, #tpu.memory_space<hbm>>
        tpu.wait_dma2 semaphore(%arg24 : memref<!tpu.dma_semaphore, #tpu.memory_space<semaphore_mem>>) src(%dma_wait3A_117 : memref<128x16xf32, #tpu.memory_space<hbm>>) dst(%arg15 : memref<128x16xf32, #tpu.memory_space<vmem>>)
        %dma_start3A_118 = arith.constant 0 : i32
        %dma_start3A_119 = tpu.memref_slice %arg12[%mul3A_43, %dma_start3A_118] : memref<158x128xi32, #tpu.memory_space<vmem>> -> memref<1x128xi32, #tpu.memory_space<vmem>>
        %dma_start3A_120 = tpu.memref_squeeze %dma_start3A_119 : memref<1x128xi32, #tpu.memory_space<vmem>> -> memref<128xi32, #tpu.memory_space<vmem>>
        %dma_start3A_121 = arith.constant 0 : i32
        %dma_start3A_122 = arith.constant 0 : i32
        %dma_start3A_123 = tpu.memref_slice %arg19[%dma_start3A_121, %dma_start3A_122] : memref<10240x16xf32, #tpu.memory_space<vmem_shared>> -> memref<10240x16xf32, #tpu.memory_space<vmem_shared>>
        tpu.enqueue_indirect_dma source(%arg15 : memref<128x16xf32, #tpu.memory_space<vmem>>) target(%dma_start3A_123 : memref<10240x16xf32, #tpu.memory_space<vmem_shared>>) offsets(%dma_start3A_120 : memref<128xi32, #tpu.memory_space<vmem>>) semaphore(%arg26 : memref<!tpu.dma_semaphore, #tpu.memory_space<semaphore_mem>>) {add = true}
      } else {
      }
      %ne3A_62 = arith.constant 0 : i32
      %ne3A_63 = arith.cmpi ne, %arg0, %ne3A_62 : i32
      %convert_element_type3A_64 = arith.extui %ne3A_63 : i1 to i32
      %cond3A_65 = arith.constant 0 : i32
      %cond3A_66 = arith.cmpi ne, %convert_element_type3A_64, %cond3A_65 : i32
      scf.if %cond3A_66 {
        %gt3A_108 = arith.constant 0 : i32
        %gt3A_109 = arith.cmpi sgt, %scan3A_41, %gt3A_108 : i32
        %convert_element_type3A_110 = arith.extui %gt3A_109 : i1 to i32
        %cond3A_111 = arith.constant 0 : i32
        %cond3A_112 = arith.cmpi ne, %convert_element_type3A_110, %cond3A_111 : i32
        scf.if %cond3A_112 {
          %dma_wait3A_119 = arith.constant 0 : i32
          %dma_wait3A_120 = tpu.memref_slice %arg12[%mul3A_43, %dma_wait3A_119] : memref<158x128xi32, #tpu.memory_space<vmem>> -> memref<1x128xi32, #tpu.memory_space<vmem>>
          %dma_wait3A_121 = tpu.memref_squeeze %dma_wait3A_120 : memref<1x128xi32, #tpu.memory_space<vmem>> -> memref<128xi32, #tpu.memory_space<vmem>>
          %dma_wait3A_122 = arith.constant 0 : i32
          %dma_wait3A_123 = arith.constant 0 : i32
          %dma_wait3A_124 = tpu.memref_slice %arg19[%dma_wait3A_122, %dma_wait3A_123] : memref<10240x16xf32, #tpu.memory_space<vmem_shared>> -> memref<10240x16xf32, #tpu.memory_space<vmem_shared>>
          tpu.wait_indirect_dma semaphore(%arg26 : memref<!tpu.dma_semaphore, #tpu.memory_space<semaphore_mem>>) src(%arg17 : memref<128x16xf32, #tpu.memory_space<vmem>>) dst(%dma_wait3A_124 : memref<10240x16xf32, #tpu.memory_space<vmem_shared>>)
        } else {
        }
        %dma_start3A_113 = arith.constant 0 : i32
        %dma_start3A_114 = tpu.memref_slice %arg12[%mul3A_43, %dma_start3A_113] : memref<158x128xi32, #tpu.memory_space<vmem>> -> memref<1x128xi32, #tpu.memory_space<vmem>>
        %dma_start3A_115 = tpu.memref_squeeze %dma_start3A_114 : memref<1x128xi32, #tpu.memory_space<vmem>> -> memref<128xi32, #tpu.memory_space<vmem>>
        %dma_start3A_116 = arith.constant 0 : i32
        %dma_start3A_117 = arith.constant 0 : i32
        %dma_start3A_118 = tpu.memref_slice %arg19[%dma_start3A_116, %dma_start3A_117] : memref<10240x16xf32, #tpu.memory_space<vmem_shared>> -> memref<10240x16xf32, #tpu.memory_space<vmem_shared>>
        tpu.enqueue_indirect_dma source(%arg17 : memref<128x16xf32, #tpu.memory_space<vmem>>) target(%dma_start3A_118 : memref<10240x16xf32, #tpu.memory_space<vmem_shared>>) offsets(%dma_start3A_115 : memref<128xi32, #tpu.memory_space<vmem>>) semaphore(%arg26 : memref<!tpu.dma_semaphore, #tpu.memory_space<semaphore_mem>>) {add = true}
      } else {
      }
      %gt3A = arith.constant 0 : i32
      %gt3A_67 = arith.cmpi sgt, %scan3A_41, %gt3A : i32
      %convert_element_type3A_68 = arith.extui %gt3A_67 : i1 to i32
      %cond3A_69 = arith.constant 0 : i32
      %cond3A_70 = arith.cmpi ne, %convert_element_type3A_68, %cond3A_69 : i32
      scf.if %cond3A_70 {
        %dma_wait3A_108 = arith.constant 0 : i32
        %dma_wait3A_109 = tpu.memref_slice %arg12[%add3A_44, %dma_wait3A_108] : memref<158x128xi32, #tpu.memory_space<vmem>> -> memref<1x128xi32, #tpu.memory_space<vmem>>
        %dma_wait3A_110 = tpu.memref_squeeze %dma_wait3A_109 : memref<1x128xi32, #tpu.memory_space<vmem>> -> memref<128xi32, #tpu.memory_space<vmem>>
        %dma_wait3A_111 = arith.constant 0 : i32
        %dma_wait3A_112 = arith.constant 0 : i32
        %dma_wait3A_113 = tpu.memref_slice %arg18[%dma_wait3A_111, %dma_wait3A_112] : memref<10240x64xf32, #tpu.memory_space<vmem_shared>> -> memref<10240x64xf32, #tpu.memory_space<vmem_shared>>
        tpu.wait_indirect_dma semaphore(%arg23 : memref<!tpu.dma_semaphore, #tpu.memory_space<semaphore_mem>>) src(%arg14 : memref<128x64xf32, #tpu.memory_space<vmem>>) dst(%dma_wait3A_113 : memref<10240x64xf32, #tpu.memory_space<vmem_shared>>)
      } else {
      }
      %dma_start3A_71 = arith.constant 0 : i32
      %dma_start3A_72 = tpu.memref_slice %arg11[%add3A_44, %dma_start3A_71] : memref<158x128xi32, #tpu.memory_space<vmem>> -> memref<1x128xi32, #tpu.memory_space<vmem>>
      %dma_start3A_73 = tpu.memref_squeeze %dma_start3A_72 : memref<1x128xi32, #tpu.memory_space<vmem>> -> memref<128xi32, #tpu.memory_space<vmem>>
      %dma_start3A_74 = arith.constant 0 : i32
      %dma_start3A_75 = arith.constant 0 : i32
      %dma_start3A_76 = tpu.memref_slice %arg2[%dma_start3A_74, %dma_start3A_75] : memref<20000x64xf32, #tpu.memory_space<hbm>> -> memref<20000x64xf32, #tpu.memory_space<hbm>>
      tpu.enqueue_indirect_dma source(%dma_start3A_76 : memref<20000x64xf32, #tpu.memory_space<hbm>>) target(%arg14 : memref<128x64xf32, #tpu.memory_space<vmem>>) offsets(%dma_start3A_73 : memref<128xi32, #tpu.memory_space<vmem>>) semaphore(%arg21 : memref<!tpu.dma_semaphore, #tpu.memory_space<semaphore_mem>>)
      %eq3A_77 = arith.constant 0 : i32
      %eq3A_78 = arith.cmpi eq, %arg0, %eq3A_77 : i32
      %convert_element_type3A_79 = arith.extui %eq3A_78 : i1 to i32
      %cond3A_80 = arith.constant 0 : i32
      %cond3A_81 = arith.cmpi ne, %convert_element_type3A_79, %cond3A_80 : i32
      scf.if %cond3A_81 {
        %gt3A_108 = arith.constant 0 : i32
        %gt3A_109 = arith.cmpi sgt, %scan3A_41, %gt3A_108 : i32
        %convert_element_type3A_110 = arith.extui %gt3A_109 : i1 to i32
        %cond3A_111 = arith.constant 0 : i32
        %cond3A_112 = arith.cmpi ne, %convert_element_type3A_110, %cond3A_111 : i32
        scf.if %cond3A_112 {
          %dma_wait3A_123 = arith.constant 0 : i32
          %dma_wait3A_124 = tpu.memref_slice %arg12[%add3A_44, %dma_wait3A_123] : memref<158x128xi32, #tpu.memory_space<vmem>> -> memref<1x128xi32, #tpu.memory_space<vmem>>
          %dma_wait3A_125 = tpu.memref_squeeze %dma_wait3A_124 : memref<1x128xi32, #tpu.memory_space<vmem>> -> memref<128xi32, #tpu.memory_space<vmem>>
          %dma_wait3A_126 = arith.constant 0 : i32
          %dma_wait3A_127 = arith.constant 0 : i32
          %dma_wait3A_128 = tpu.memref_slice %arg19[%dma_wait3A_126, %dma_wait3A_127] : memref<10240x16xf32, #tpu.memory_space<vmem_shared>> -> memref<10240x16xf32, #tpu.memory_space<vmem_shared>>
          tpu.wait_indirect_dma semaphore(%arg27 : memref<!tpu.dma_semaphore, #tpu.memory_space<semaphore_mem>>) src(%arg16 : memref<128x16xf32, #tpu.memory_space<vmem>>) dst(%dma_wait3A_128 : memref<10240x16xf32, #tpu.memory_space<vmem_shared>>)
        } else {
        }
        %mul3A_113 = arith.constant 158 : i32
        %mul3A_114 = arith.muli %arg1, %mul3A_113 : i32
        %add3A_115 = arith.addi %mul3A_114, %add3A_44 : i32
        %min3A = arith.constant 2499 : i32
        %min3A_116 = arith.minsi %add3A_115, %min3A : i32
        %mul3A_117 = arith.constant 128 : i32
        %mul3A_118 = arith.muli %min3A_116, %mul3A_117 : i32
        %dma_start3A_119 = arith.constant 0 : i32
        %dma_start3A_120 = tpu.memref_slice %arg5[%mul3A_118, %dma_start3A_119] : memref<320000x16xf32, #tpu.memory_space<hbm>> -> memref<128x16xf32, #tpu.memory_space<hbm>>
        %dma_start3A_121 = arith.constant 0 : i32
        %dma_start3A_122 = tpu.memref_slice %arg5[%mul3A_118, %dma_start3A_121] : memref<320000x16xf32, #tpu.memory_space<hbm>> -> memref<128x16xf32, #tpu.memory_space<hbm>>
        tpu.enqueue_dma source(%dma_start3A_122 : memref<128x16xf32, #tpu.memory_space<hbm>>) target(%arg16 : memref<128x16xf32, #tpu.memory_space<vmem>>) target_semaphore(%arg25 : memref<!tpu.dma_semaphore, #tpu.memory_space<semaphore_mem>>)
      } else {
      }
      %dma_wait3A_82 = arith.constant 0 : i32
      %dma_wait3A_83 = tpu.memref_slice %arg11[%add3A_44, %dma_wait3A_82] : memref<158x128xi32, #tpu.memory_space<vmem>> -> memref<1x128xi32, #tpu.memory_space<vmem>>
      %dma_wait3A_84 = tpu.memref_squeeze %dma_wait3A_83 : memref<1x128xi32, #tpu.memory_space<vmem>> -> memref<128xi32, #tpu.memory_space<vmem>>
      %dma_wait3A_85 = arith.constant 0 : i32
      %dma_wait3A_86 = arith.constant 0 : i32
      %dma_wait3A_87 = tpu.memref_slice %arg2[%dma_wait3A_85, %dma_wait3A_86] : memref<20000x64xf32, #tpu.memory_space<hbm>> -> memref<20000x64xf32, #tpu.memory_space<hbm>>
      tpu.wait_indirect_dma semaphore(%arg21 : memref<!tpu.dma_semaphore, #tpu.memory_space<semaphore_mem>>) src(%dma_wait3A_87 : memref<20000x64xf32, #tpu.memory_space<hbm>>) dst(%arg14 : memref<128x64xf32, #tpu.memory_space<vmem>>)
      %dma_start3A_88 = arith.constant 0 : i32
      %dma_start3A_89 = tpu.memref_slice %arg12[%add3A_44, %dma_start3A_88] : memref<158x128xi32, #tpu.memory_space<vmem>> -> memref<1x128xi32, #tpu.memory_space<vmem>>
      %dma_start3A_90 = tpu.memref_squeeze %dma_start3A_89 : memref<1x128xi32, #tpu.memory_space<vmem>> -> memref<128xi32, #tpu.memory_space<vmem>>
      %dma_start3A_91 = arith.constant 0 : i32
      %dma_start3A_92 = arith.constant 0 : i32
      %dma_start3A_93 = tpu.memref_slice %arg18[%dma_start3A_91, %dma_start3A_92] : memref<10240x64xf32, #tpu.memory_space<vmem_shared>> -> memref<10240x64xf32, #tpu.memory_space<vmem_shared>>
      tpu.enqueue_indirect_dma source(%arg14 : memref<128x64xf32, #tpu.memory_space<vmem>>) target(%dma_start3A_93 : memref<10240x64xf32, #tpu.memory_space<vmem_shared>>) offsets(%dma_start3A_90 : memref<128xi32, #tpu.memory_space<vmem>>) semaphore(%arg23 : memref<!tpu.dma_semaphore, #tpu.memory_space<semaphore_mem>>) {add = true}
      %eq3A_94 = arith.constant 0 : i32
      %eq3A_95 = arith.cmpi eq, %arg0, %eq3A_94 : i32
      %convert_element_type3A_96 = arith.extui %eq3A_95 : i1 to i32
      %cond3A_97 = arith.constant 0 : i32
      %cond3A_98 = arith.cmpi ne, %convert_element_type3A_96, %cond3A_97 : i32
      scf.if %cond3A_98 {
        %mul3A_108 = arith.constant 158 : i32
        %mul3A_109 = arith.muli %arg1, %mul3A_108 : i32
        %add3A_110 = arith.addi %mul3A_109, %add3A_44 : i32
        %min3A = arith.constant 2499 : i32
        %min3A_111 = arith.minsi %add3A_110, %min3A : i32
        %mul3A_112 = arith.constant 128 : i32
        %mul3A_113 = arith.muli %min3A_111, %mul3A_112 : i32
        %dma_wait3A_114 = arith.constant 0 : i32
        %dma_wait3A_115 = tpu.memref_slice %arg5[%mul3A_113, %dma_wait3A_114] : memref<320000x16xf32, #tpu.memory_space<hbm>> -> memref<128x16xf32, #tpu.memory_space<hbm>>
        %dma_wait3A_116 = arith.constant 0 : i32
        %dma_wait3A_117 = tpu.memref_slice %arg5[%mul3A_113, %dma_wait3A_116] : memref<320000x16xf32, #tpu.memory_space<hbm>> -> memref<128x16xf32, #tpu.memory_space<hbm>>
        tpu.wait_dma2 semaphore(%arg25 : memref<!tpu.dma_semaphore, #tpu.memory_space<semaphore_mem>>) src(%dma_wait3A_117 : memref<128x16xf32, #tpu.memory_space<hbm>>) dst(%arg16 : memref<128x16xf32, #tpu.memory_space<vmem>>)
        %dma_start3A_118 = arith.constant 0 : i32
        %dma_start3A_119 = tpu.memref_slice %arg12[%add3A_44, %dma_start3A_118] : memref<158x128xi32, #tpu.memory_space<vmem>> -> memref<1x128xi32, #tpu.memory_space<vmem>>
        %dma_start3A_120 = tpu.memref_squeeze %dma_start3A_119 : memref<1x128xi32, #tpu.memory_space<vmem>> -> memref<128xi32, #tpu.memory_space<vmem>>
        %dma_start3A_121 = arith.constant 0 : i32
        %dma_start3A_122 = arith.constant 0 : i32
        %dma_start3A_123 = tpu.memref_slice %arg19[%dma_start3A_121, %dma_start3A_122] : memref<10240x16xf32, #tpu.memory_space<vmem_shared>> -> memref<10240x16xf32, #tpu.memory_space<vmem_shared>>
        tpu.enqueue_indirect_dma source(%arg16 : memref<128x16xf32, #tpu.memory_space<vmem>>) target(%dma_start3A_123 : memref<10240x16xf32, #tpu.memory_space<vmem_shared>>) offsets(%dma_start3A_120 : memref<128xi32, #tpu.memory_space<vmem>>) semaphore(%arg27 : memref<!tpu.dma_semaphore, #tpu.memory_space<semaphore_mem>>) {add = true}
      } else {
      }
      %ne3A_99 = arith.constant 0 : i32
      %ne3A_100 = arith.cmpi ne, %arg0, %ne3A_99 : i32
      %convert_element_type3A_101 = arith.extui %ne3A_100 : i1 to i32
      %cond3A_102 = arith.constant 0 : i32
      %cond3A_103 = arith.cmpi ne, %convert_element_type3A_101, %cond3A_102 : i32
      scf.if %cond3A_103 {
        %gt3A_108 = arith.constant 0 : i32
        %gt3A_109 = arith.cmpi sgt, %scan3A_41, %gt3A_108 : i32
        %convert_element_type3A_110 = arith.extui %gt3A_109 : i1 to i32
        %cond3A_111 = arith.constant 0 : i32
        %cond3A_112 = arith.cmpi ne, %convert_element_type3A_110, %cond3A_111 : i32
        scf.if %cond3A_112 {
          %dma_wait3A_119 = arith.constant 0 : i32
          %dma_wait3A_120 = tpu.memref_slice %arg12[%add3A_44, %dma_wait3A_119] : memref<158x128xi32, #tpu.memory_space<vmem>> -> memref<1x128xi32, #tpu.memory_space<vmem>>
          %dma_wait3A_121 = tpu.memref_squeeze %dma_wait3A_120 : memref<1x128xi32, #tpu.memory_space<vmem>> -> memref<128xi32, #tpu.memory_space<vmem>>
          %dma_wait3A_122 = arith.constant 0 : i32
          %dma_wait3A_123 = arith.constant 0 : i32
          %dma_wait3A_124 = tpu.memref_slice %arg19[%dma_wait3A_122, %dma_wait3A_123] : memref<10240x16xf32, #tpu.memory_space<vmem_shared>> -> memref<10240x16xf32, #tpu.memory_space<vmem_shared>>
          tpu.wait_indirect_dma semaphore(%arg27 : memref<!tpu.dma_semaphore, #tpu.memory_space<semaphore_mem>>) src(%arg17 : memref<128x16xf32, #tpu.memory_space<vmem>>) dst(%dma_wait3A_124 : memref<10240x16xf32, #tpu.memory_space<vmem_shared>>)
        } else {
        }
        %dma_start3A_113 = arith.constant 0 : i32
        %dma_start3A_114 = tpu.memref_slice %arg12[%add3A_44, %dma_start3A_113] : memref<158x128xi32, #tpu.memory_space<vmem>> -> memref<1x128xi32, #tpu.memory_space<vmem>>
        %dma_start3A_115 = tpu.memref_squeeze %dma_start3A_114 : memref<1x128xi32, #tpu.memory_space<vmem>> -> memref<128xi32, #tpu.memory_space<vmem>>
        %dma_start3A_116 = arith.constant 0 : i32
        %dma_start3A_117 = arith.constant 0 : i32
        %dma_start3A_118 = tpu.memref_slice %arg19[%dma_start3A_116, %dma_start3A_117] : memref<10240x16xf32, #tpu.memory_space<vmem_shared>> -> memref<10240x16xf32, #tpu.memory_space<vmem_shared>>
        tpu.enqueue_indirect_dma source(%arg17 : memref<128x16xf32, #tpu.memory_space<vmem>>) target(%dma_start3A_118 : memref<10240x16xf32, #tpu.memory_space<vmem_shared>>) offsets(%dma_start3A_115 : memref<128xi32, #tpu.memory_space<vmem>>) semaphore(%arg27 : memref<!tpu.dma_semaphore, #tpu.memory_space<semaphore_mem>>) {add = true}
      } else {
      }
      %lt3A = arith.constant 78 : i32
      %lt3A_104 = arith.cmpi slt, %scan3A_41, %lt3A : i32
      %convert_element_type3A_105 = arith.extui %lt3A_104 : i1 to i32
      %cond3A_106 = arith.constant 0 : i32
      %cond3A_107 = arith.cmpi ne, %convert_element_type3A_105, %cond3A_106 : i32
      scf.if %cond3A_107 {
        %dma_wait3A_108 = arith.constant 0 : i32
        %dma_wait3A_109 = tpu.memref_slice %arg12[%mul3A_43, %dma_wait3A_108] : memref<158x128xi32, #tpu.memory_space<vmem>> -> memref<1x128xi32, #tpu.memory_space<vmem>>
        %dma_wait3A_110 = tpu.memref_squeeze %dma_wait3A_109 : memref<1x128xi32, #tpu.memory_space<vmem>> -> memref<128xi32, #tpu.memory_space<vmem>>
        %dma_wait3A_111 = arith.constant 0 : i32
        %dma_wait3A_112 = arith.constant 0 : i32
        %dma_wait3A_113 = tpu.memref_slice %arg18[%dma_wait3A_111, %dma_wait3A_112] : memref<10240x64xf32, #tpu.memory_space<vmem_shared>> -> memref<10240x64xf32, #tpu.memory_space<vmem_shared>>
        tpu.wait_indirect_dma semaphore(%arg22 : memref<!tpu.dma_semaphore, #tpu.memory_space<semaphore_mem>>) src(%arg13 : memref<128x64xf32, #tpu.memory_space<vmem>>) dst(%dma_wait3A_113 : memref<10240x64xf32, #tpu.memory_space<vmem_shared>>)
        %add3A_114 = arith.constant 2 : i32
        %add3A_115 = arith.addi %mul3A_43, %add3A_114 : i32
        %dma_start3A_116 = arith.constant 0 : i32
        %dma_start3A_117 = tpu.memref_slice %arg11[%add3A_115, %dma_start3A_116] : memref<158x128xi32, #tpu.memory_space<vmem>> -> memref<1x128xi32, #tpu.memory_space<vmem>>
        %dma_start3A_118 = tpu.memref_squeeze %dma_start3A_117 : memref<1x128xi32, #tpu.memory_space<vmem>> -> memref<128xi32, #tpu.memory_space<vmem>>
        %dma_start3A_119 = arith.constant 0 : i32
        %dma_start3A_120 = arith.constant 0 : i32
        %dma_start3A_121 = tpu.memref_slice %arg2[%dma_start3A_119, %dma_start3A_120] : memref<20000x64xf32, #tpu.memory_space<hbm>> -> memref<20000x64xf32, #tpu.memory_space<hbm>>
        tpu.enqueue_indirect_dma source(%dma_start3A_121 : memref<20000x64xf32, #tpu.memory_space<hbm>>) target(%arg13 : memref<128x64xf32, #tpu.memory_space<vmem>>) offsets(%dma_start3A_118 : memref<128xi32, #tpu.memory_space<vmem>>) semaphore(%arg20 : memref<!tpu.dma_semaphore, #tpu.memory_space<semaphore_mem>>)
        %eq3A_122 = arith.constant 0 : i32
        %eq3A_123 = arith.cmpi eq, %arg0, %eq3A_122 : i32
        %convert_element_type3A_124 = arith.extui %eq3A_123 : i1 to i32
        %cond3A_125 = arith.constant 0 : i32
        %cond3A_126 = arith.cmpi ne, %convert_element_type3A_124, %cond3A_125 : i32
        scf.if %cond3A_126 {
          %dma_wait3A_127 = arith.constant 0 : i32
          %dma_wait3A_128 = tpu.memref_slice %arg12[%mul3A_43, %dma_wait3A_127] : memref<158x128xi32, #tpu.memory_space<vmem>> -> memref<1x128xi32, #tpu.memory_space<vmem>>
          %dma_wait3A_129 = tpu.memref_squeeze %dma_wait3A_128 : memref<1x128xi32, #tpu.memory_space<vmem>> -> memref<128xi32, #tpu.memory_space<vmem>>
          %dma_wait3A_130 = arith.constant 0 : i32
          %dma_wait3A_131 = arith.constant 0 : i32
          %dma_wait3A_132 = tpu.memref_slice %arg19[%dma_wait3A_130, %dma_wait3A_131] : memref<10240x16xf32, #tpu.memory_space<vmem_shared>> -> memref<10240x16xf32, #tpu.memory_space<vmem_shared>>
          tpu.wait_indirect_dma semaphore(%arg26 : memref<!tpu.dma_semaphore, #tpu.memory_space<semaphore_mem>>) src(%arg15 : memref<128x16xf32, #tpu.memory_space<vmem>>) dst(%dma_wait3A_132 : memref<10240x16xf32, #tpu.memory_space<vmem_shared>>)
          %add3A_133 = arith.constant 2 : i32
          %add3A_134 = arith.addi %mul3A_43, %add3A_133 : i32
          %mul3A_135 = arith.constant 158 : i32
          %mul3A_136 = arith.muli %arg1, %mul3A_135 : i32
          %add3A_137 = arith.addi %mul3A_136, %add3A_134 : i32
          %min3A = arith.constant 2499 : i32
          %min3A_138 = arith.minsi %add3A_137, %min3A : i32
          %mul3A_139 = arith.constant 128 : i32
          %mul3A_140 = arith.muli %min3A_138, %mul3A_139 : i32
          %dma_start3A_141 = arith.constant 0 : i32
          %dma_start3A_142 = tpu.memref_slice %arg5[%mul3A_140, %dma_start3A_141] : memref<320000x16xf32, #tpu.memory_space<hbm>> -> memref<128x16xf32, #tpu.memory_space<hbm>>
          %dma_start3A_143 = arith.constant 0 : i32
          %dma_start3A_144 = tpu.memref_slice %arg5[%mul3A_140, %dma_start3A_143] : memref<320000x16xf32, #tpu.memory_space<hbm>> -> memref<128x16xf32, #tpu.memory_space<hbm>>
          tpu.enqueue_dma source(%dma_start3A_144 : memref<128x16xf32, #tpu.memory_space<hbm>>) target(%arg15 : memref<128x16xf32, #tpu.memory_space<vmem>>) target_semaphore(%arg24 : memref<!tpu.dma_semaphore, #tpu.memory_space<semaphore_mem>>)
        } else {
        }
      } else {
      }
    }
    %scan3A_17 = arith.constant 79 : i32
    %dma_wait3A = arith.constant 156 : i32
    %dma_wait3A_18 = arith.constant 0 : i32
    %dma_wait3A_19 = tpu.memref_slice %arg12[%dma_wait3A, %dma_wait3A_18] : memref<158x128xi32, #tpu.memory_space<vmem>> -> memref<1x128xi32, #tpu.memory_space<vmem>>
    %dma_wait3A_20 = tpu.memref_squeeze %dma_wait3A_19 : memref<1x128xi32, #tpu.memory_space<vmem>> -> memref<128xi32, #tpu.memory_space<vmem>>
    %dma_wait3A_21 = arith.constant 0 : i32
    %dma_wait3A_22 = arith.constant 0 : i32
    %dma_wait3A_23 = tpu.memref_slice %arg18[%dma_wait3A_21, %dma_wait3A_22] : memref<10240x64xf32, #tpu.memory_space<vmem_shared>> -> memref<10240x64xf32, #tpu.memory_space<vmem_shared>>
    tpu.wait_indirect_dma semaphore(%arg22 : memref<!tpu.dma_semaphore, #tpu.memory_space<semaphore_mem>>) src(%arg13 : memref<128x64xf32, #tpu.memory_space<vmem>>) dst(%dma_wait3A_23 : memref<10240x64xf32, #tpu.memory_space<vmem_shared>>)
    %dma_wait3A_24 = arith.constant 157 : i32
    %dma_wait3A_25 = arith.constant 0 : i32
    %dma_wait3A_26 = tpu.memref_slice %arg12[%dma_wait3A_24, %dma_wait3A_25] : memref<158x128xi32, #tpu.memory_space<vmem>> -> memref<1x128xi32, #tpu.memory_space<vmem>>
    %dma_wait3A_27 = tpu.memref_squeeze %dma_wait3A_26 : memref<1x128xi32, #tpu.memory_space<vmem>> -> memref<128xi32, #tpu.memory_space<vmem>>
    %dma_wait3A_28 = arith.constant 0 : i32
    %dma_wait3A_29 = arith.constant 0 : i32
    %dma_wait3A_30 = tpu.memref_slice %arg18[%dma_wait3A_28, %dma_wait3A_29] : memref<10240x64xf32, #tpu.memory_space<vmem_shared>> -> memref<10240x64xf32, #tpu.memory_space<vmem_shared>>
    tpu.wait_indirect_dma semaphore(%arg23 : memref<!tpu.dma_semaphore, #tpu.memory_space<semaphore_mem>>) src(%arg14 : memref<128x64xf32, #tpu.memory_space<vmem>>) dst(%dma_wait3A_30 : memref<10240x64xf32, #tpu.memory_space<vmem_shared>>)
    %eq3A_31 = arith.constant 0 : i32
    %eq3A_32 = arith.cmpi eq, %arg0, %eq3A_31 : i32
    %convert_element_type3A_33 = arith.extui %eq3A_32 : i1 to i32
    %cond3A_34 = arith.constant 0 : i32
    %cond3A_35 = arith.cmpi ne, %convert_element_type3A_33, %cond3A_34 : i32
    scf.if %cond3A_35 {
      %dma_wait3A_41 = arith.constant 156 : i32
      %dma_wait3A_42 = arith.constant 0 : i32
      %dma_wait3A_43 = tpu.memref_slice %arg12[%dma_wait3A_41, %dma_wait3A_42] : memref<158x128xi32, #tpu.memory_space<vmem>> -> memref<1x128xi32, #tpu.memory_space<vmem>>
      %dma_wait3A_44 = tpu.memref_squeeze %dma_wait3A_43 : memref<1x128xi32, #tpu.memory_space<vmem>> -> memref<128xi32, #tpu.memory_space<vmem>>
      %dma_wait3A_45 = arith.constant 0 : i32
      %dma_wait3A_46 = arith.constant 0 : i32
      %dma_wait3A_47 = tpu.memref_slice %arg19[%dma_wait3A_45, %dma_wait3A_46] : memref<10240x16xf32, #tpu.memory_space<vmem_shared>> -> memref<10240x16xf32, #tpu.memory_space<vmem_shared>>
      tpu.wait_indirect_dma semaphore(%arg26 : memref<!tpu.dma_semaphore, #tpu.memory_space<semaphore_mem>>) src(%arg15 : memref<128x16xf32, #tpu.memory_space<vmem>>) dst(%dma_wait3A_47 : memref<10240x16xf32, #tpu.memory_space<vmem_shared>>)
      %dma_wait3A_48 = arith.constant 157 : i32
      %dma_wait3A_49 = arith.constant 0 : i32
      %dma_wait3A_50 = tpu.memref_slice %arg12[%dma_wait3A_48, %dma_wait3A_49] : memref<158x128xi32, #tpu.memory_space<vmem>> -> memref<1x128xi32, #tpu.memory_space<vmem>>
      %dma_wait3A_51 = tpu.memref_squeeze %dma_wait3A_50 : memref<1x128xi32, #tpu.memory_space<vmem>> -> memref<128xi32, #tpu.memory_space<vmem>>
      %dma_wait3A_52 = arith.constant 0 : i32
      %dma_wait3A_53 = arith.constant 0 : i32
      %dma_wait3A_54 = tpu.memref_slice %arg19[%dma_wait3A_52, %dma_wait3A_53] : memref<10240x16xf32, #tpu.memory_space<vmem_shared>> -> memref<10240x16xf32, #tpu.memory_space<vmem_shared>>
      tpu.wait_indirect_dma semaphore(%arg27 : memref<!tpu.dma_semaphore, #tpu.memory_space<semaphore_mem>>) src(%arg16 : memref<128x16xf32, #tpu.memory_space<vmem>>) dst(%dma_wait3A_54 : memref<10240x16xf32, #tpu.memory_space<vmem_shared>>)
    } else {
    }
    %ne3A = arith.constant 0 : i32
    %ne3A_36 = arith.cmpi ne, %arg0, %ne3A : i32
    %convert_element_type3A_37 = arith.extui %ne3A_36 : i1 to i32
    %cond3A_38 = arith.constant 0 : i32
    %cond3A_39 = arith.cmpi ne, %convert_element_type3A_37, %cond3A_38 : i32
    scf.if %cond3A_39 {
      %dma_wait3A_41 = arith.constant 156 : i32
      %dma_wait3A_42 = arith.constant 0 : i32
      %dma_wait3A_43 = tpu.memref_slice %arg12[%dma_wait3A_41, %dma_wait3A_42] : memref<158x128xi32, #tpu.memory_space<vmem>> -> memref<1x128xi32, #tpu.memory_space<vmem>>
      %dma_wait3A_44 = tpu.memref_squeeze %dma_wait3A_43 : memref<1x128xi32, #tpu.memory_space<vmem>> -> memref<128xi32, #tpu.memory_space<vmem>>
      %dma_wait3A_45 = arith.constant 0 : i32
      %dma_wait3A_46 = arith.constant 0 : i32
      %dma_wait3A_47 = tpu.memref_slice %arg19[%dma_wait3A_45, %dma_wait3A_46] : memref<10240x16xf32, #tpu.memory_space<vmem_shared>> -> memref<10240x16xf32, #tpu.memory_space<vmem_shared>>
      tpu.wait_indirect_dma semaphore(%arg26 : memref<!tpu.dma_semaphore, #tpu.memory_space<semaphore_mem>>) src(%arg17 : memref<128x16xf32, #tpu.memory_space<vmem>>) dst(%dma_wait3A_47 : memref<10240x16xf32, #tpu.memory_space<vmem_shared>>)
      %dma_wait3A_48 = arith.constant 157 : i32
      %dma_wait3A_49 = arith.constant 0 : i32
      %dma_wait3A_50 = tpu.memref_slice %arg12[%dma_wait3A_48, %dma_wait3A_49] : memref<158x128xi32, #tpu.memory_space<vmem>> -> memref<1x128xi32, #tpu.memory_space<vmem>>
      %dma_wait3A_51 = tpu.memref_squeeze %dma_wait3A_50 : memref<1x128xi32, #tpu.memory_space<vmem>> -> memref<128xi32, #tpu.memory_space<vmem>>
      %dma_wait3A_52 = arith.constant 0 : i32
      %dma_wait3A_53 = arith.constant 0 : i32
      %dma_wait3A_54 = tpu.memref_slice %arg19[%dma_wait3A_52, %dma_wait3A_53] : memref<10240x16xf32, #tpu.memory_space<vmem_shared>> -> memref<10240x16xf32, #tpu.memory_space<vmem_shared>>
      tpu.wait_indirect_dma semaphore(%arg27 : memref<!tpu.dma_semaphore, #tpu.memory_space<semaphore_mem>>) src(%arg17 : memref<128x16xf32, #tpu.memory_space<vmem>>) dst(%dma_wait3A_54 : memref<10240x16xf32, #tpu.memory_space<vmem_shared>>)
    } else {
    }
    %barrier3A_40 = arith.constant 0 : index
    tpu.barrier barrier_id(%barrier3A_40)
    "tpu.region"() ({
      %run_scoped3A = tpu.sem_alloc : memref<!tpu.dma_semaphore, #tpu.memory_space<semaphore_mem>>
      %dma_start3A_41 = arith.constant 0 : i32
      %dma_start3A_42 = tpu.memref_slice %arg9[%arg0, %mul3A_0, %dma_start3A_41] : memref<2x10240x64xf32, #tpu.memory_space<hbm>> -> memref<1x640x64xf32, #tpu.memory_space<hbm>>
      %dma_start3A_43 = tpu.memref_squeeze %dma_start3A_42 : memref<1x640x64xf32, #tpu.memory_space<hbm>> -> memref<640x64xf32, #tpu.memory_space<hbm>>
      %dma_start3A_44 = arith.constant 0 : i32
      %dma_start3A_45 = tpu.memref_slice %arg18[%mul3A_0, %dma_start3A_44] : memref<10240x64xf32, #tpu.memory_space<vmem_shared>> -> memref<640x64xf32, #tpu.memory_space<vmem_shared>>
      tpu.enqueue_dma source(%dma_start3A_45 : memref<640x64xf32, #tpu.memory_space<vmem_shared>>) target(%dma_start3A_43 : memref<640x64xf32, #tpu.memory_space<hbm>>) target_semaphore(%run_scoped3A : memref<!tpu.dma_semaphore, #tpu.memory_space<semaphore_mem>>)
      %dma_wait3A_46 = arith.constant 0 : i32
      %dma_wait3A_47 = tpu.memref_slice %arg9[%arg0, %mul3A_0, %dma_wait3A_46] : memref<2x10240x64xf32, #tpu.memory_space<hbm>> -> memref<1x640x64xf32, #tpu.memory_space<hbm>>
      %dma_wait3A_48 = tpu.memref_squeeze %dma_wait3A_47 : memref<1x640x64xf32, #tpu.memory_space<hbm>> -> memref<640x64xf32, #tpu.memory_space<hbm>>
      %dma_wait3A_49 = arith.constant 0 : i32
      %dma_wait3A_50 = tpu.memref_slice %arg18[%mul3A_0, %dma_wait3A_49] : memref<10240x64xf32, #tpu.memory_space<vmem_shared>> -> memref<640x64xf32, #tpu.memory_space<vmem_shared>>
      tpu.wait_dma2 semaphore(%run_scoped3A : memref<!tpu.dma_semaphore, #tpu.memory_space<semaphore_mem>>) src(%dma_wait3A_50 : memref<640x64xf32, #tpu.memory_space<vmem_shared>>) dst(%dma_wait3A_48 : memref<640x64xf32, #tpu.memory_space<hbm>>)
      tpu.yield
    }) : () -> ()
    "tpu.region"() ({
      %run_scoped3A = tpu.sem_alloc : memref<!tpu.dma_semaphore, #tpu.memory_space<semaphore_mem>>
      %dma_start3A_41 = arith.constant 0 : i32
      %dma_start3A_42 = tpu.memref_slice %arg10[%arg0, %mul3A_0, %dma_start3A_41] : memref<2x10240x16xf32, #tpu.memory_space<hbm>> -> memref<1x640x16xf32, #tpu.memory_space<hbm>>
      %dma_start3A_43 = tpu.memref_squeeze %dma_start3A_42 : memref<1x640x16xf32, #tpu.memory_space<hbm>> -> memref<640x16xf32, #tpu.memory_space<hbm>>
      %dma_start3A_44 = arith.constant 0 : i32
      %dma_start3A_45 = tpu.memref_slice %arg19[%mul3A_0, %dma_start3A_44] : memref<10240x16xf32, #tpu.memory_space<vmem_shared>> -> memref<640x16xf32, #tpu.memory_space<vmem_shared>>
      tpu.enqueue_dma source(%dma_start3A_45 : memref<640x16xf32, #tpu.memory_space<vmem_shared>>) target(%dma_start3A_43 : memref<640x16xf32, #tpu.memory_space<hbm>>) target_semaphore(%run_scoped3A : memref<!tpu.dma_semaphore, #tpu.memory_space<semaphore_mem>>)
      %dma_wait3A_46 = arith.constant 0 : i32
      %dma_wait3A_47 = tpu.memref_slice %arg10[%arg0, %mul3A_0, %dma_wait3A_46] : memref<2x10240x16xf32, #tpu.memory_space<hbm>> -> memref<1x640x16xf32, #tpu.memory_space<hbm>>
      %dma_wait3A_48 = tpu.memref_squeeze %dma_wait3A_47 : memref<1x640x16xf32, #tpu.memory_space<hbm>> -> memref<640x16xf32, #tpu.memory_space<hbm>>
      %dma_wait3A_49 = arith.constant 0 : i32
      %dma_wait3A_50 = tpu.memref_slice %arg19[%mul3A_0, %dma_wait3A_49] : memref<10240x16xf32, #tpu.memory_space<vmem_shared>> -> memref<640x16xf32, #tpu.memory_space<vmem_shared>>
      tpu.wait_dma2 semaphore(%run_scoped3A : memref<!tpu.dma_semaphore, #tpu.memory_space<semaphore_mem>>) src(%dma_wait3A_50 : memref<640x16xf32, #tpu.memory_space<vmem_shared>>) dst(%dma_wait3A_48 : memref<640x16xf32, #tpu.memory_space<hbm>>)
      tpu.yield
    }) : () -> ()
    return
  }
}

module attributes {stable_mosaic.version = 14 : i64} {
  func.func @_tc_body(%arg0: i32, %arg1: memref<2x1024x64xf32, #tpu.memory_space<vmem>>, %arg2: memref<2x1024x16xf32, #tpu.memory_space<vmem>>, %arg3: memref<144x128xf32, #tpu.memory_space<vmem>>, %arg4: memref<1x128xf32, #tpu.memory_space<vmem>>, %arg5: memref<1024x128xf32, #tpu.memory_space<vmem>>) attributes {dimension_semantics = [#tpu.dimension_semantics<arbitrary>], iteration_bounds = array<i64: 10>, scalar_prefetch = 0 : i64, scratch_operands = 0 : i64, tpu.core_type = #tpu.core_type<tc>, window_params = [{transform_indices = @transform_0, window_bounds = array<i64: 2, 1024, 64>}, {transform_indices = @transform_1, window_bounds = array<i64: 2, 1024, 16>}, {pipeline_mode = #tpu.pipeline_mode<synchronous>, transform_indices = @transform_2, window_bounds = array<i64: 144, 128>}, {pipeline_mode = #tpu.pipeline_mode<synchronous>, transform_indices = @transform_3, window_bounds = array<i64: 1, 128>}, {transform_indices = @transform_4, window_bounds = array<i64: 1024, 128>}]} {
    %get3A = arith.constant 0 : index
    %get3A_0 = arith.constant 0 : index
    %get3A_1 = arith.constant 0 : index
    %get3A_2 = vector.load %arg2[%get3A, %get3A_0, %get3A_1] : memref<2x1024x16xf32, #tpu.memory_space<vmem>>, vector<1x1024x16xf32>
    %get3A_3 = vector.shape_cast %get3A_2 : vector<1x1024x16xf32> to vector<1024x16xf32>
    %get3A_4 = arith.constant 1 : index
    %get3A_5 = arith.constant 0 : index
    %get3A_6 = arith.constant 0 : index
    %get3A_7 = vector.load %arg2[%get3A_4, %get3A_5, %get3A_6] : memref<2x1024x16xf32, #tpu.memory_space<vmem>>, vector<1x1024x16xf32>
    %get3A_8 = vector.shape_cast %get3A_7 : vector<1x1024x16xf32> to vector<1024x16xf32>
    %slice3A = vector.extract_strided_slice %get3A_8 {offsets = [0, 0], sizes = [1024, 1], strides = [1, 1]} : vector<1024x16xf32> to vector<1024x1xf32>
    %get3A_9 = arith.constant 0 : index
    %get3A_10 = arith.constant 0 : index
    %get3A_11 = arith.constant 0 : index
    %get3A_12 = vector.load %arg1[%get3A_9, %get3A_10, %get3A_11] : memref<2x1024x64xf32, #tpu.memory_space<vmem>>, vector<1x1024x64xf32>
    %get3A_13 = vector.shape_cast %get3A_12 : vector<1x1024x64xf32> to vector<1024x64xf32>
    %get3A_14 = arith.constant 0 : index
    %get3A_15 = arith.constant 0 : index
    %get3A_16 = vector.load %arg3[%get3A_14, %get3A_15] : memref<144x128xf32, #tpu.memory_space<vmem>>, vector<64x128xf32>
    %dot_general3A = arith.constant dense<0.000000e+00> : vector<1024x128xf32>
    %dot_general3A_17 = tpu.matmul %get3A_13, %get3A_16, %dot_general3A {dimension_numbers = #tpu.dot_dimension_numbers<[1], [0], [0], [1], [0, 0, 1, 1], [], []>, precision = #tpu.contract_precision<fp32>, transpose_lhs_hint = false} : vector<1024x64xf32>, vector<64x128xf32>, vector<1024x128xf32> -> vector<1024x128xf32>
    %get3A_18 = arith.constant 1 : index
    %get3A_19 = arith.constant 0 : index
    %get3A_20 = arith.constant 0 : index
    %get3A_21 = vector.load %arg1[%get3A_18, %get3A_19, %get3A_20] : memref<2x1024x64xf32, #tpu.memory_space<vmem>>, vector<1x1024x64xf32>
    %get3A_22 = vector.shape_cast %get3A_21 : vector<1x1024x64xf32> to vector<1024x64xf32>
    %get3A_23 = arith.constant 64 : index
    %get3A_24 = arith.constant 0 : index
    %get3A_25 = vector.load %arg3[%get3A_23, %get3A_24] : memref<144x128xf32, #tpu.memory_space<vmem>>, vector<64x128xf32>
    %dot_general3A_26 = arith.constant dense<0.000000e+00> : vector<1024x128xf32>
    %dot_general3A_27 = tpu.matmul %get3A_22, %get3A_25, %dot_general3A_26 {dimension_numbers = #tpu.dot_dimension_numbers<[1], [0], [0], [1], [0, 0, 1, 1], [], []>, precision = #tpu.contract_precision<fp32>, transpose_lhs_hint = false} : vector<1024x64xf32>, vector<64x128xf32>, vector<1024x128xf32> -> vector<1024x128xf32>
    %add3A = arith.addf %dot_general3A_17, %dot_general3A_27 : vector<1024x128xf32>
    %get3A_28 = arith.constant 128 : index
    %get3A_29 = arith.constant 0 : index
    %get3A_30 = vector.load %arg3[%get3A_28, %get3A_29] : memref<144x128xf32, #tpu.memory_space<vmem>>, vector<16x128xf32>
    %dot_general3A_31 = arith.constant dense<0.000000e+00> : vector<1024x128xf32>
    %dot_general3A_32 = tpu.matmul %get3A_3, %get3A_30, %dot_general3A_31 {dimension_numbers = #tpu.dot_dimension_numbers<[1], [0], [0], [1], [0, 0, 1, 1], [], []>, precision = #tpu.contract_precision<fp32>, transpose_lhs_hint = false} : vector<1024x16xf32>, vector<16x128xf32>, vector<1024x128xf32> -> vector<1024x128xf32>
    %add3A_33 = arith.addf %add3A, %dot_general3A_32 : vector<1024x128xf32>
    %get3A_34 = arith.constant 0 : index
    %get3A_35 = arith.constant 0 : index
    %get3A_36 = vector.load %arg4[%get3A_34, %get3A_35] : memref<1x128xf32, #tpu.memory_space<vmem>>, vector<1x128xf32>
    %mul3A = vector.broadcast %slice3A : vector<1024x1xf32> to vector<1024x128xf32>
    %mul3A_37 = vector.broadcast %get3A_36 : vector<1x128xf32> to vector<1024x128xf32>
    %mul3A_38 = arith.mulf %mul3A, %mul3A_37 : vector<1024x128xf32>
    %add3A_39 = arith.addf %add3A_33, %mul3A_38 : vector<1024x128xf32>
    %max3A = arith.constant 1.000000e+00 : f32
    %max3A_40 = vector.broadcast %max3A : f32 to vector<1024x1xf32>
    %max3A_41 = arith.maximumf %slice3A, %max3A_40 : vector<1024x1xf32>
    %div3A = vector.broadcast %max3A_41 : vector<1024x1xf32> to vector<1024x128xf32>
    %div3A_42 = arith.divf %add3A_39, %div3A : vector<1024x128xf32>
    %swap3A = arith.constant 0 : index
    %swap3A_43 = arith.constant 0 : index
    %swap3A_44 = vector.load %arg5[%swap3A, %swap3A_43] : memref<1024x128xf32, #tpu.memory_space<vmem>>, vector<1024x128xf32>
    tpu.vector_store %arg5[%swap3A, %swap3A_43], %div3A_42 {strides = array<i32>} : memref<1024x128xf32, #tpu.memory_space<vmem>>, vector<1024x128xf32>,
    return
  }
  func.func @transform_0(%arg0: i32) -> (i32, i32, i32) {
    %c0_i32 = arith.constant 0 : i32
    %c0_i32_0 = arith.constant 0 : i32
    %c0_i32_1 = arith.constant 0 : i32
    return %c0_i32, %arg0, %c0_i32_0 : i32, i32, i32
  }
  func.func @transform_1(%arg0: i32) -> (i32, i32, i32) {
    %c0_i32 = arith.constant 0 : i32
    %c0_i32_0 = arith.constant 0 : i32
    %c0_i32_1 = arith.constant 0 : i32
    return %c0_i32, %arg0, %c0_i32_0 : i32, i32, i32
  }
  func.func @transform_2(%arg0: i32) -> (i32, i32) {
    %c0_i32 = arith.constant 0 : i32
    %c0_i32_0 = arith.constant 0 : i32
    %c0_i32_1 = arith.constant 0 : i32
    return %c0_i32, %c0_i32_0 : i32, i32
  }
  func.func @transform_3(%arg0: i32) -> (i32, i32) {
    %c0_i32 = arith.constant 0 : i32
    %c0_i32_0 = arith.constant 0 : i32
    %c0_i32_1 = arith.constant 0 : i32
    return %c0_i32, %c0_i32_0 : i32, i32
  }
  func.func @transform_4(%arg0: i32) -> (i32, i32) {
    %c0_i32 = arith.constant 0 : i32
    %c0_i32_0 = arith.constant 0 : i32
    return %arg0, %c0_i32 : i32, i32
  }
}

</mosaic_0001>

<sc_bundles>
// kernel: kernel.4.cloned.1.call-start
scs
__scs_entry_jumppad:
0x0: {  	(pc) =	sbr.rel $0x88, $3  }
0x1: {  	(tag) =	ssettag $0x0;
	lr =	simm.s32 $0x1  }
0x2: {  	[smem:$0x3F9C] =	sst lr;
	_ =	strace $0xD0000000  }
0x3: {  	_ = 	snop  }
0x4: {  	_ = 	snop  }
0x5: {  	_ = 	snop  }
0x6: {  	_ = 	snop  }
0x7: {  	_ = 	snop  }
__scs_overlays_trampoline_lowered:
0x8: {  	[smem:$0x3FAB] =	sst s0  }
0x9: {  	[smem:$0x3FAC] =	sst s1  }
0xa: {  	[smem:$0x3FAD] =	sst s2  }
0xb: {  	[smem:$0x3FAE] =	sst s3  }
0xc: {  	[smem:$0x3FAF] =	sst s4  }
0xd: {  	[smem:$0x3FB0] =	sst s5  }
0xe: {  	[smem:$0x3FB1] =	sst s6  }
0xf: {  	[smem:$0x3FB2] =	sst s7  }
0x10: {  	[smem:$0x3FB3] =	sst s8  }
0x11: {  	[smem:$0x3FB4] =	sst s9;
	s0 =	simm.s32 @!p0 $0x0  }
0x12: {  	s1 =	sld [smem:$0x3F9A];
	s0 =	simm.s32 @p0 $0x1  }
0x13: {  	[smem:$0x3FB5] =	sst s0;
	s0 =	simm.s32 @!p1 $0x0  }
0x14: {  	s2 =	sld [smem:$0x3F99];
	s0 =	simm.s32 @p1 $0x1  }
0x15: {  	[smem:$0x3FB6] =	sst s0;
	s0 =	simm.s32 @!p2 $0x0  }
0x16: {  	s3 =	sld [smem:$0x3FDB];
	s0 =	simm.s32 @p2 $0x1  }
0x17: {  	s4 =	simm.s32 $0x1BF5;
	[smem:$0x3FB8] =	sst s0  }
0x18: {  	s0 =	sld [smem:$0x3F9B];
	_ =	swait.ge [sflag:s4], $0x0  }
0x19: {  	s7 =	sld [smem:$0x3F9C]  }
0x1a: {  	s8 =	sadd.s32 $0xFFFFE003, lr  }
0x1b: {  	s9 =	sadd.s32 $0xFFFFFEF7, lr;
	s5 =	simm.s32 $0xFFFFFFFF;
	p2 =	slt.u32 s8, $0xFFFFF086  }
0x1c: {  	p1 =	slt.u32 s9, $0xF7A;
	s5 =	simm.s32 @!p2 $0x0  }
0x1d: {  	s5 =	simm.s32 @p1 $0x1;
	p0 =	seq.s32 s7, s2  }
0x1e: {  	s7 =	smul.u32 @!p0 $0xF7A, s2;
	p2 =	seq.s32 @!p0 s5, $0x0  }
0x1f: {  	s9 =	smul.u32 $0xF7A, s1;
	s8 =	simm.s32 @!p0 $0x1BF5;
	p2 =	por !p2, p0  }
0x20: {  	[sflag:s8] =	ssyncset.s32 @!p0 $0xFFFFF086;
	s6 =	sadd.s32 @!p0 s3, s7;
	s7 =	simm.s32 @!p0 $0x108  }
0x21: {  	s3 =	sadd.s32 s3, s9;
	s6 =	sadd.s32 @!p0 $0x88, s6;
	s7 =	simm.s32 @p2 $0x1082  }
0x22: {  	[simem:s7], [sflag:s8] =	dma.local @!p0 [hbm:s6], $0xF7A  }
0x23: {  	s9 =	sor.u32 $0xD0000000, s2;
	s6 =	simm.s32 $0x108;
	_ =	swait.ge @!p0 [sflag:s8], $0x0  }
0x24: {  	s3 =	sadd.s32 $0x88, s3;
	s6 =	simm.s32 @!p1 $0x1082;
	[sflag:s4] =	ssyncset.s32 $0xFFFFF086  }
0x25: {  	[simem:s6], [sflag:s4] =	dma.local [hbm:s3], $0xF7A  }
0x26: {  	[smem:$0x3F9C] =	sst s1;
	(tag) =	ssettag s2;
	_ =	strace s9  }
0x27: {  	s1 =	sld [smem:$0x3FAC]  }
0x28: {  	s2 =	sld [smem:$0x3FAD]  }
0x29: {  	s4 =	sld [smem:$0x3FAF]  }
0x2a: {  	p0 =	seq.s32 s5, $0x0;
	s5 =	sld [smem:$0x3FB0]  }
0x2b: {  	s6 =	sld [smem:$0x3FB1]  }
0x2c: {  	s7 =	sld [smem:$0x3FB2]  }
0x2d: {  	s3 =	simm.s32 $0x108;
	s8 =	sld [smem:$0x3FB3]  }
0x2e: {  	s3 =	simm.s32 @!p0 $0x1082;
	s9 =	sld [smem:$0x3FB4]  }
0x2f: {  	lr =	sadd.s32 s0, s3;
	s0 =	sld [smem:$0x3FAB]  }
0x30: {  	s3 =	sld [smem:$0x3FAE]  }
0x31: {  	[smem:$0x3FB7] =	sst s10  }
0x32: {  	s10 =	sld [smem:$0x3FB5];
	_ =	sdelay $0x3  }
0x33: {  	p0 =	seq.s32 s10, $0x1;
	s10 =	sld [smem:$0x3FB7];
	_ =	sdelay $0x3  }
0x34: {  	[smem:$0x3FB7] =	sst s10  }
0x35: {  	s10 =	sld [smem:$0x3FB6];
	_ =	sdelay $0x3  }
0x36: {  	p1 =	seq.s32 s10, $0x1;
	s10 =	sld [smem:$0x3FB7];
	_ =	sdelay $0x3  }
0x37: {  	[smem:$0x3FB7] =	sst s10  }
0x38: {  	s10 =	sld [smem:$0x3FB8]  }
0x39: {  	_ = 	snop;
	(pc) =	sbr.ind lr, $3  }
0x3a: {  	_ = 	snop  }
0x3b: {  	_ = 	snop  }
0x3c: {  	p2 =	seq.s32 s10, $0x1;
	s10 =	sld [smem:$0x3FB7]  }
0x3d: {  	_ =	shalt  }
0x3e: {  	_ =	shalt  }
0x3f: {  	_ =	shalt  }
0x40: {  	_ =	shalt  }
0x41: {  	_ =	shalt  }
0x42: {  	_ =	shalt  }
0x43: {  	_ =	shalt  }
0x44: {  	_ =	shalt  }
0x45: {  	_ =	shalt  }
0x46: {  	_ =	shalt  }
0x47: {  	_ =	shalt  }
0x48: {  	_ =	shalt  }
0x49: {  	_ =	shalt  }
0x4a: {  	_ =	shalt  }
0x4b: {  	_ =	shalt  }
0x4c: {  	_ =	shalt  }
0x4d: {  	_ =	shalt  }
0x4e: {  	_ =	shalt  }
0x4f: {  	_ =	shalt  }
0x50: {  	_ =	shalt  }
0x51: {  	_ =	shalt  }
0x52: {  	_ =	shalt  }
0x53: {  	_ =	shalt  }
0x54: {  	_ =	shalt  }
0x55: {  	_ =	shalt  }
0x56: {  	_ =	shalt  }
0x57: {  	_ =	shalt  }
0x58: {  	_ =	shalt  }
0x59: {  	_ =	shalt  }
0x5a: {  	_ =	shalt  }
0x5b: {  	_ =	shalt  }
0x5c: {  	_ =	shalt  }
0x5d: {  	_ =	shalt  }
0x5e: {  	_ =	shalt  }
0x5f: {  	_ =	shalt  }
0x60: {  	_ =	shalt  }
0x61: {  	_ =	shalt  }
0x62: {  	_ =	shalt  }
0x63: {  	_ =	shalt  }
0x64: {  	_ =	shalt  }
0x65: {  	_ =	shalt  }
0x66: {  	_ =	shalt  }
0x67: {  	_ =	shalt  }
0x68: {  	_ =	shalt  }
0x69: {  	_ =	shalt  }
0x6a: {  	_ =	shalt  }
0x6b: {  	_ =	shalt  }
0x6c: {  	_ =	shalt  }
0x6d: {  	_ =	shalt  }
0x6e: {  	_ =	shalt  }
0x6f: {  	_ =	shalt  }
0x70: {  	_ =	shalt  }
0x71: {  	_ =	shalt  }
0x72: {  	_ =	shalt  }
0x73: {  	_ =	shalt  }
0x74: {  	_ =	shalt  }
0x75: {  	_ =	shalt  }
0x76: {  	_ =	shalt  }
0x77: {  	_ =	shalt  }
0x78: {  	_ =	shalt  }
0x79: {  	_ =	shalt  }
0x7a: {  	_ =	shalt  }
0x7b: {  	_ =	shalt  }
0x7c: {  	_ =	shalt  }
0x7d: {  	_ =	shalt  }
0x7e: {  	_ =	shalt  }
0x7f: {  	_ =	shalt  }
0x80: {  	_ =	shalt  }
0x81: {  	_ =	shalt  }
0x82: {  	_ =	shalt  }
0x83: {  	_ =	shalt  }
0x84: {  	_ =	shalt  }
0x85: {  	_ =	shalt  }
0x86: {  	_ =	shalt  }
0x87: {  	_ =	shalt  }
.Lfunc_end0:
.L_simem_size_0:
called_computation_lowered:
.L_overlay_start_0:
0x88: {  	s2 =	sld [smem:$0x3FD9]  }
0x89: {  	s3 =	sld [smem:$0x3FFE];
	_ =	sdelay $0x1  }
0x8a: {  	s1 =	srdreg.scid  }
0x8b: {  	s0 =	sand.u32 $0x1, s1  }
0x8c: {  	s17 =	sshll.u32 s0, $0xA;
	s2 =	sadd.s32 s3, s2  }
0x8d: {  	s2 =	sadd.s32 s2, s17  }
0x8e: {  	[smem:$0x3FC3] =	sst s2  }
0x8f: {  	_ = 	snop  }
0x90: {  	s2 =	sld [smem:$0x3FD0];
	(tm) =	ssettm $0x1  }
0x91: {  	s18 =	sld [smem:$0x3FFB];
	_ =	sdelay $0x3  }
0x92: {  	_ =	strace s18  }
0x93: {  	s3 =	sld [smem:$0x3FFC];
	_ =	sdelay $0x3  }
0x94: {  	_ =	strace s3  }
0x95: {  	s3 =	sld [smem:$0x3FFD];
	_ =	sdelay $0x3  }
0x96: {  	_ =	strace s3  }
0x97: {  	_ =	strace $0x8FFFFFFF  }
0x98: {  	s19 =	sld [smem:$0x3FDB];
	_ =	sdelay $0x1  }
0x99: {  	s4 =	simm.s32 $_scs_section_size  }
0x9a: {  	s5 =	simm.s32 $_size__tile_overlayer_lowered;
	s6 =	simm.s32 $_tile_overlayer_lowered  }
0x9b: {  	s22 =	simm.s32 $0x1BFF;
	s21 =	sshll.u32 s6, $0x1;
	s3 =	sadd.s32 s4, s19  }
0x9c: {  	s7 =	simm.s32 $0x0;
	s20 =	sshll.u32 s5, $0x1;
	s5 =	sadd.s32 s21, s3  }
0x9d: {  	[timem:s7], [sflag:s22] =	dma.local [hbm:s5], s20  }
0x9e: {  	_ =	swait.ge [sflag:s22], s20  }
0x9f: {  	s4 =	ssub.s32 $0x0, s20;
	[sflag:s22] =	ssyncset.done $0x0  }
0xa0: {  	[sflag:s22] =	ssyncadd.s32 s4;
	_ =	sdelay $0x1  }
0xa1: {  	s23 =	simm.s32 $0x1B8B  }
0xa2: {  	_ =	swait.ge [sflag:s23], $0x1  }
0xa3: {  	[sflag:s23] =	ssyncset.done $0x0  }
0xa4: {  	s25 =	simm.s32 $0x1B8E;
	s24 =	sld [smem:$0x3FFE];
	[sflag:s23] =	ssyncadd.s32 $0xFFFFFFFF  }
0xa5: {  	s26 =	simm.s32 $execute0_lowered;
	[smem:$0x3FD2] =	sst s25  }
0xa6: {  	s5 =	sshll.u32 s26, $0x1;
	_ =	strace $0x80000046;
	[dreg:$0x1] =	wrdreg $0xFFFFFFFF  }
0xa7: {  	s28 =	simm.s32 $_size_execute0_lowered;
	s3 =	sadd.s32 s3, s5;
	[dreg:$0x0] =	wrdreg $0x0  }
0xa8: {  	s5 =	sshll.u32 s28, $0x1;
	[dreg:$0x2] =	wrdreg s3  }
0xa9: {  	[dreg:$0x3] =	wrdreg s5  }
0xaa: {  	[dreg:$0x4] =	wrdreg $0xC0  }
0xab: {  	_ =	task [dreg:s7], $0x5FFFF  }
0xac: {  	[dreg:$0x1] =	wrdreg $0xFFFFFFFF  }
0xad: {  	[dreg:$0x0] =	wrdreg $0x60  }
0xae: {  	[dreg:$0x2] =	wrdreg s2  }
0xaf: {  	[dreg:$0x3] =	wrdreg s24  }
0xb0: {  	[dreg:$0x4] =	wrdreg $0xF6000  }
0xb1: {  	[dreg:$0x5] =	wrdreg $0x196000  }
0xb2: {  	[dreg:$0x6] =	wrdreg $0x9  }
0xb3: {  	_ =	task.clear_ibuf [dreg:s7], $0x7FFFF;
	_ =	strace $0x90000046  }
0xb4: {  	s29 =	simm.s32 $0x9;
	_ =	strace $0x80000048  }
0xb5: {  	_ =	swait.ge [sflag:s29], $0x1  }
0xb6: {  	[sflag:s29] =	ssyncadd.s32 $0xFFFFFFFF  }
0xb7: {  	_ =	strace $0x90000048  }
0xb8: {  	_ =	sfence  }
0xb9: {  	s30 =	sld [smem:$0x0];
	_ =	sdelay $0x2  }
0xba: {  	s31 =	sshll.u32 s1, $0xD;
	s1 =	sshrl.u32 s1, $0x2  }
0xbb: {  	s3 =	sand.u32 $0x4000, s31;
	s1 =	sadd.s32 s1, s30  }
0xbc: {  	s0 =	sor.u32 s3, s0;
	s1 =	sshll.u32 s1, $0x11  }
0xbd: {  	s0 =	sor.u32 s1, s0  }
0xbe: {  	s0 =	sadd.s32 $0x8F2B, s0  }
0xbf: {  	[sflag:s0] =	ssyncadd.remote.s32 $0x1  }
0xc0: {  	_ =	sfence.sel $0xFFFF  }
0xc1: {  	[dreg:$0x0] =	wrdreg $0xFFFFFFFF;
	(pc) =	sbr.abs _section_cstart, $3  }
0xc2: {  	[dreg:$0x1] =	wrdreg $0xFFFFFFFF  }
0xc3: {  	_ =	task.clear_ibuf [dreg:s7], $0x2FFFF;
	_ =	strace $0x9FFFFFFF  }
0xc4: {  	(tm) =	ssettm $0x7FFFFFFF  }
0xc5: {  	_ =	shalt  }
tec
execute0_lowered:
.L_overlay_start_1:
0x0: {  	(tag) =	ssettag $0x1  }
0x1: {  	s1 =	rddreg [dreg:$0x0]  }
0x2: {  	s0 =	rddreg [dreg:$0x1]  }
0x3: {  	s3 =	rddreg [dreg:$0x2];
	s2 =	srdreg.scid  }
0x4: {  	s15 =	stileid.u32;
	s4 =	rddreg [dreg:$0x3]  }
0x5: {  	s5 =	simm.s32 $0x0;
	s28 =	simm.s32 $0x9E00;
	s6 =	smul.u32 $0x4F00, s15  }
0x6: {  	s29 =	simm.s32 $0x1;
	s30 =	simm.s32 $0x5;
	s8 =	smul.u32 $0xA000, s15  }
0x7: {  	s31 =	simm.s32 $0xDE00;
	s2 =	sand.u32 $0x1, s2;
	s12 =	smul.u32 $0x2800, s15  }
0x8: {  	[smem:$0x7FF] =	sst s5;
	s10 =	sadd.s32 $0x15C00, s0;
	s21 =	smul.u32 $0x9E00, s15  }
0x9: {  	s13 =	sadd.s32 $0xBC00, s0;
	s20 =	sshll.u32 s15, $0x6;
	s15 =	smul.u32 $0x9E, s15  }
0xa: {  	s7 =	smul.u32 $0x4F000, s2;
	_ =	strace $0x80000047;
	[dreg:$0x5] =	wrdreg s10  }
0xb: {  	s18 =	sadd.s32 $0xD000, s0;
	s9 =	smul.u32 $0xA0000, s2;
	[dreg:$0x6] =	wrdreg s13  }
0xc: {  	s17 =	smul.u32 $0x28000, s2;
	[dreg:$0x7] =	wrdreg s18;
	s19 =	ssub.s32 $0x2, s2  }
0xd: {  	p0 =	seq.s32 s2, $0x0;
	s18 =	simm.s32 $0xE600;
	p1 =	sne.s32 s2, $0x0  }
0xe: {  	s2 =	simm.s32 $0xBE00;
	s14 =	sshrl.u32 s19, $0x1;
	s18 =	simm.s32 @!p0 $0xEE00  }
0xf: {  	s26 =	sor.u32 $0x1, s15;
	s7 =	sadd.s32 s6, s7;
	s6 =	sshrl.u32 s6, $0x3  }
0x10: {  	s9 =	sadd.s32 s8, s9;
	s10 =	sadd.s32 s12, s17;
	s13 =	ssub.s32 s19, s14  }
0x11: {  	s8 =	sadd.s32 s8, s3;
	s12 =	sadd.s32 s12, s4;
	s17 =	simm.s32 $0xE600  }
0x12: {  	s19 =	simm.s32 $0x6;
	[dreg:$0xe] =	wrdreg s26;
	s26 =	simm.s32 $0x80  }
0x13: {  	s7 =	sshrl.u32 s7, $0x3;
	s11 =	sadd.s32 s6, s0;
	s6 =	sadd.s32 $0x4F7C00, s0  }
0x14: {  	s9 =	sshrl.u32 s9, $0x3;
	s10 =	sshrl.u32 s10, $0x3;
	s25 =	smax.u32 s13, $0x1  }
0x15: {  	s19 =	simm.s32 @!p0 $0x8;
	s7 =	sadd.s32 s7, s0;
	s9 =	sadd.s32 s9, s0  }
0x16: {  	s0 =	sadd.s32 s10, s0;
	s10 =	sor.u32 $0x1C09, s20;
	s22 =	sadd.s32 $0x1E00, s11  }
0x17: {  	s23 =	sadd.s32 s6, s21;
	[dreg:$0xd] =	wrdreg s25;
	s21 =	sshrl.u32 s8, $0x3  }
0x18: {  	s25 =	simm.s32 $0x3;
	s8 =	simm.s32 $0x7;
	[dreg:$0x9] =	wrdreg s22  }
.Ltmp0:
0x19: {  	s7 =	sadd.s32 $0x15E00, s7;
	[dreg:$0xa] =	wrdreg s23;
	(pc) =	sbr.rel .LBB2_1-.Ltmp0, $4  }
0x1a: {  	s11 =	simm.s32 $0x0;
	s24 =	sadd.s32 $0x33A00, s9;
	[dreg:$0x8] =	wrdreg s7  }
0x1b: {  	s0 =	sadd.s32 $0x29A00, s0;
	s22 =	simm.s32 $0x9;
	[dreg:$0xb] =	wrdreg s24  }
0x1c: {  	s23 =	sshrl.u32 s12, $0x3;
	s9 =	simm.s32 $0x8;
	[dreg:$0xc] =	wrdreg s0  }
0x1d: {  	s24 =	simm.s32 $0xEE00;
	s0 =	simm.s32 $0x2;
	s7 =	simm.s32 $0x4  }
.LBB2_13:
0x1e: {  	_ =	swait.ge [sflag:s7], $0x2000  }
0x1f: {  	[sflag:s7] =	ssyncset.done $0x0  }
0x20: {  	[sflag:s7] =	ssyncadd.s32 $0xFFFFE000  }
0x21: {  	_ =	swait.ge [sflag:s8], $0x800  }
0x22: {  	[sflag:s8] =	ssyncset.done $0x0  }
0x23: {  	[sflag:s8] =	ssyncadd.s32 $0xFFFFF800  }
0x24: {  	_ =	swait.ge [sflag:s9], $0x800  }
0x25: {  	[sflag:s9] =	ssyncset.done $0x0  }
0x26: {  	[sflag:s9] =	ssyncadd.s32 $0xFFFFF800  }
0x27: {  	[bflag:$0x0] =	sbarrier.arrive $0xFFFF  }
0x28: {  	s12 =	rddreg [dreg:$0xb]  }
0x29: {  	[hbm:s12], [sflag:s10] =	dma.local [spmem:s21], $0x1400  }
0x2a: {  	_ =	swait.ge [sflag:s22], $0x1400  }
0x2b: {  	[sflag:s22] =	ssyncset.done $0x0  }
0x2c: {  	s16 =	rddreg [dreg:$0xc];
	[sflag:s22] =	ssyncadd.s32 $0xFFFFEC00  }
0x2d: {  	[hbm:s16], [sflag:s10] =	dma.local [spmem:s23], $0x500  }
0x2e: {  	_ =	swait.ge [sflag:s22], $0x500  }
0x2f: {  	s11 =	sadd.s32 $0x1, s11;
	s20 =	rddreg [dreg:$0xd]  }
0x30: {  	p2 =	sne.s32 s11, s20  }
.Ltmp1:
0x31: {  	_ = 	snop;
	(pc) =	sbr.rel @!p2 .LBB2_14-.Ltmp1, $3  }
0x32: {  	_ =	sdelay $0x1  }
0x33: {  	[sflag:s22] =	ssyncset.done $0x0  }
0x34: {  	[sflag:s22] =	ssyncadd.s32 $0xFFFFFB00  }
.LBB2_1:
0x35: {  	s12 =	rddreg [dreg:$0x6]  }
0x36: {  	[spmem:s21], [sflag:s10] =	dma.local [hbm:s12], $0x1400  }
0x37: {  	_ =	swait.ge [sflag:s22], $0x1400  }
0x38: {  	[sflag:s22] =	ssyncset.done $0x0  }
0x39: {  	s14 =	rddreg [dreg:$0x7];
	[sflag:s22] =	ssyncadd.s32 $0xFFFFEC00  }
0x3a: {  	[spmem:s23], [sflag:s10] =	dma.local [hbm:s14], $0x500  }
0x3b: {  	_ =	swait.ge [sflag:s22], $0x500  }
0x3c: {  	[sflag:s22] =	ssyncset.done $0x0  }
0x3d: {  	s15 =	rddreg [dreg:$0x5];
	[sflag:s22] =	ssyncadd.s32 $0xFFFFFB00  }
0x3e: {  	[tilespmem:s24], [sflag:$0x9] =	stream.linear.gather [hbm4b:s15+s5], $0x800, $0x38;
	[tilespmem:$0x1BE00] =	vst v63  }
0x3f: {  	_ =	swait.ge [sflag:s22], $0x800  }
0x40: {  	[sflag:s22] =	ssyncset.done $0x0  }
0x41: {  	s16 =	rddreg [dreg:$0x8];
	[sflag:s22] =	ssyncadd.s32 $0xFFFFF800  }
0x42: {  	[tilespmem:s5], [sflag:$0x9] =	stream.linear.gather [hbm4b:s16+s5], $0x4F00, $0x38;
	[tilespmem:$0x1BE00] =	vst v63  }
0x43: {  	_ =	swait.ge [sflag:s22], $0x4F00  }
0x44: {  	[sflag:s22] =	ssyncset.done $0x0  }
0x45: {  	s13 =	simm.s32 $0x4F00;
	s20 =	rddreg [dreg:$0x9];
	[sflag:s22] =	ssyncadd.s32 $0xFFFFB100  }
0x46: {  	[tilespmem:s13], [sflag:$0x9] =	stream.linear.gather [hbm4b:s20+s5], $0x4F00, $0x38;
	[tilespmem:$0x1BE00] =	vst v63  }
0x47: {  	_ =	swait.ge [sflag:s22], $0x4F00  }
0x48: {  	[sflag:s22] =	ssyncset.done $0x0  }
0x49: {  	[sflag:s22] =	ssyncadd.s32 $0xFFFFB100  }
0x4a: {  	[bflag:$0x0] =	sbarrier.arrive $0xFFFF  }
0x4b: {  	[tilespmem:s28], [sflag:$0x1] =	stream.indirect.gather [hbm4b:s1+s26], $0x40, s5, s26, $0xb8;
	[tilespmem:$0x1BE00] =	vst v63  }
0x4c: {  	s12 =	simm.s32 @!p1 $0x0;
	s13 =	simm.s32 @!p1 $0xDE00;
	s14 =	rddreg [dreg:$0xa]  }
0x4d: {  	[tilespmem:s13], [sflag:$0x5] =	stream.linear.gather @!p1 [hbm4b:s14+s12], $0x800, $0x38;
	[tilespmem:$0x1BE00] =	vst v63  }
0x4e: {  	s16 =	simm.s32 $0x80;
	s20 =	rddreg [dreg:$0xe];
	s14 =	simm.s32 $0x0  }
.LBB2_2:
.Ltmp2:
0x4f: {  	(pc) =	sbr.rel @!p0 .LBB2_3-.Ltmp2, $4  }
0x50: {  	_ =	swait.ge [sflag:s29], $0x2000  }
0x51: {  	s15 =	sshra.s32 s14, $0x2;
	[sflag:s29] =	ssyncset.done $0x0  }
0x52: {  	s12 =	sadd.s32 $0x4F00, s15;
	[sflag:s29] =	ssyncadd.s32 $0xFFFFE000  }
0x53: {  	[spmem:s3] =	stream.indirect.scatter.add.f32 [tilespmem:s28], [sflag:$0x3], $0x40, s12, s26, $0xb8;
	[tilespmem:$0x1BE00] =	vst v63  }
0x54: {  	p2 =	seq.s32 s14, $0x0  }
.Ltmp3:
0x55: {  	_ = 	snop;
	(pc) =	sbr.rel @!p2 .LBB2_8-.Ltmp3, $4  }
0x56: {  	_ =	swait.ge [sflag:s30], $0x800  }
0x57: {  	[sflag:s30] =	ssyncset.done $0x0  }
0x58: {  	[sflag:s30] =	ssyncadd.s32 $0xFFFFF800  }
0x59: {  	[spmem:s4] =	stream.indirect.scatter.add.f32 [tilespmem:s31], [sflag:$0x7], $0x10, s12, s26, $0xb8;
	[tilespmem:$0x1BE00] =	vst v63  }
.Ltmp4:
0x5a: {  	(pc) =	sbr.rel .LBB2_10-.Ltmp4, $3  }
0x5b: {  	_ =	sdelay $0x1  }
0x5c: {  	s13 =	simm.s32 $0x80  }
0x5d: {  	[tilespmem:s2], [sflag:$0x2] =	stream.indirect.gather [hbm4b:s1+s13], $0x40, s13, s13, $0xb8;
	[tilespmem:$0x1BE00] =	vst v63  }
.LBB2_3:
0x5e: {  	p2 =	seq.s32 s14, $0x0  }
.Ltmp5:
0x5f: {  	_ = 	snop;
	(pc) =	sbr.rel @p2 .LBB2_5-.Ltmp5, $1  }
0x60: {  	_ =	sdelay $0x3  }
0x61: {  	_ =	swait.ge [sflag:s8], $0x800  }
0x62: {  	[sflag:s8] =	ssyncset.done $0x0  }
0x63: {  	[sflag:s8] =	ssyncadd.s32 $0xFFFFF800  }
0x64: {  	[spmem:s4] =	stream.indirect.scatter.add.f32 [tilespmem:s24], [sflag:$0x7], $0x10, s12, s26, $0xb8;
	[tilespmem:$0x1BE00] =	vst v63  }
.LBB2_8:
.Ltmp6:
0x65: {  	(pc) =	sbr.rel @p1 .LBB2_11-.Ltmp6, $4  }
0x66: {  	_ =	swait.ge [sflag:s7], $0x2000  }
0x67: {  	s12 =	sadd.s32 $0x80, s15;
	[sflag:s7] =	ssyncset.done $0x0  }
0x68: {  	p2 =	por $0x1, $0x1;
	s13 =	smov.u32 s16;
	[sflag:s7] =	ssyncadd.s32 $0xFFFFE000  }
0x69: {  	[tilespmem:s2], [sflag:$0x2] =	stream.indirect.gather [hbm4b:s1+s26], $0x40, s12, s26, $0xb8;
	[tilespmem:$0x1BE00] =	vst v63  }
0x6a: {  	_ =	swait.ge [sflag:s9], $0x800  }
0x6b: {  	[sflag:s9] =	ssyncset.done $0x0  }
0x6c: {  	s13 =	smov.u32 s16;
	[sflag:s9] =	ssyncadd.s32 $0xFFFFF800  }
.LBB2_10:
.Ltmp7:
0x6d: {  	p2 =	slt.s32 s20, $0x9C3;
	s12 =	smov.u32 s20;
	(pc) =	sbr.rel .LBB2_11-.Ltmp7, $4  }
0x6e: {  	s12 =	simm.s32 @!p2 $0x9C3  }
0x6f: {  	s12 =	sshll.u32 s12, $0x8  }
0x70: {  	p2 =	por $0x1, $0x1;
	s12 =	sadd.s32 s6, s12  }
0x71: {  	[tilespmem:s17], [sflag:$0x6] =	stream.linear.gather [hbm4b:s12+s5], $0x800, $0x38;
	[tilespmem:$0x1BE00] =	vst v63  }
.LBB2_5:
0x72: {  	s13 =	simm.s32 $0x80  }
0x73: {  	[spmem:s4] =	stream.indirect.scatter.add.f32 [tilespmem:s24], [sflag:$0x7], $0x10, s12, s13, $0xb8;
	[tilespmem:$0x1BE00] =	vst v63  }
0x74: {  	p2 =	por $0x0, $0x0  }
0x75: {  	[tilespmem:s2], [sflag:$0x2] =	stream.indirect.gather [hbm4b:s1+s13], $0x40, s13, s13, $0xb8;
	[tilespmem:$0x1BE00] =	vst v63  }
.LBB2_11:
0x76: {  	_ =	swait.ge [sflag:s0], $0x2000  }
0x77: {  	[sflag:s0] =	ssyncset.done $0x0  }
0x78: {  	s12 =	sadd.s32 $0x4F00, s13;
	[sflag:s0] =	ssyncadd.s32 $0xFFFFE000  }
0x79: {  	[spmem:s3] =	stream.indirect.scatter.add.f32 [tilespmem:s2], [sflag:$0x4], $0x40, s12, s26, $0xb8;
	[tilespmem:$0x1BE00] =	vst v63  }
0x7a: {  	_ =	swait.ge @p2 [sflag:s19], $0x800  }
0x7b: {  	s13 =	smov.u32 s18;
	[sflag:s19] =	ssyncset.done @p2 $0x0  }
0x7c: {  	s13 =	simm.s32 @!p2 $0xEE00;
	[sflag:s19] =	ssyncadd.s32 @p2 $0xFFFFF800;
	p2 =	seq.s32 s14, $0x13800  }
.Ltmp8:
0x7d: {  	_ = 	snop;
	(pc) =	sbr.rel @p2 .LBB2_13-.Ltmp8, $4  }
0x7e: {  	[spmem:s4] =	stream.indirect.scatter.add.f32 [tilespmem:s13], [sflag:$0x8], $0x10, s12, s26, $0xb8;
	[tilespmem:$0x1BE00] =	vst v63  }
0x7f: {  	_ =	swait.ge [sflag:s25], $0x2000  }
0x80: {  	[sflag:s25] =	ssyncset.done $0x0  }
0x81: {  	[sflag:s25] =	ssyncadd.s32 $0xFFFFE000  }
0x82: {  	s12 =	sadd.s32 $0x100, s15  }
0x83: {  	[tilespmem:s28], [sflag:$0x1] =	stream.indirect.gather [hbm4b:s1+s26], $0x40, s12, s26, $0xb8;
	[tilespmem:$0x1BE00] =	vst v63  }
0x84: {  	s12 =	sadd.s32 @!p1 $0x1, s20  }
0x85: {  	s13 =	simm.s32 @!p1 $0x7;
	s15 =	simm.s32 @!p1 $0xDE00;
	p2 =	slt.s32 @!p1 s12, $0x9C3  }
.Ltmp9:
0x86: {  	s14 =	sadd.s32 $0x400, s14;
	p2 =	por !p2, p1;
	(pc) =	sbr.rel .LBB2_2-.Ltmp9, $4  }
0x87: {  	s16 =	sadd.s32 $0x100, s16;
	_ =	swait.ge @!p1 [sflag:s13], $0x800;
	s12 =	simm.s32 @p2 $0x9C3  }
0x88: {  	s20 =	sadd.s32 $0x2, s20;
	[sflag:s13] =	ssyncset.done @!p1 $0x0;
	s12 =	sshll.u32 @!p1 s12, $0x8  }
0x89: {  	[sflag:s13] =	ssyncadd.s32 @!p1 $0xFFFFF800;
	s13 =	simm.s32 @!p1 $0x0;
	s12 =	sadd.s32 @!p1 s6, s12  }
0x8a: {  	[tilespmem:s15], [sflag:$0x5] =	stream.linear.gather @!p1 [hbm4b:s12+s13], $0x800, $0x38;
	[tilespmem:$0x1BE00] =	vst v63  }
.LBB2_14:
0x8b: {  	_ =	sfence.sel $0x180000  }
0x8c: {  	[bflag:$0x0] =	sbarrier.arrive $0xFFFF  }
0x8d: {  	_ =	strace $0x90000047  }
0x8e: {  	s0 =	stileid.u32;
	[bflag:$0x2] =	sbarrier.arrive $0xFFFF  }
0x8f: {  	p0 =	sne.s32 s0, $0x0;
	s0 =	rddreg [dreg:$0x4]  }
0x90: {  	s0 =	sadd.s32 @!p0 $0x100000, s0  }
0x91: {  	[sflag:s0] =	ssyncadd.tile.s32 @!p0 $0x1;
	_ =	shalt  }
.Lfunc_end2:
_tile_overlayer_lowered:
.L_overlay_start_2:
0x92: {  	(tag) =	ssettag $0x2  }
0x93: {  	s0 =	rddreg [dreg:$0x0];
	s2 =	stileid.u32  }
0x94: {  	s1 =	rddreg [dreg:$0x1];
	p0 =	sne.s32 s2, $0x0  }
0x95: {  	s3 =	rddreg [dreg:$0x2];
	[bflag:$0x3] =	sbarrier.arrive $0xFFFF;
	s2 =	simm.s32 @!p0 $0x1C09  }
0x96: {  	[timem:s3], [sflag:s2] =	dma.local @!p0 [hbm:s0], s1  }
0x97: {  	s0 =	simm.s32 @!p0 $0x9  }
0x98: {  	_ =	swait.ge @!p0 [sflag:s0], s1  }
0x99: {  	s1 =	ssub.s32 @!p0 $0x0, s1;
	[sflag:s0] =	ssyncset.done @!p0 $0x0  }
0x9a: {  	[sflag:s0] =	ssyncadd.s32 @!p0 s1  }
0x9b: {  	[bflag:$0x3] =	sbarrier.arrive $0xFFFF  }
0x9c: {  	_ =	shalt  }

</sc_bundles>
